<compile_context>
chip_gen: v7x
topology: tpu7x:2x2x1
jax: 0.10.2.dev20260603
libtpu: 0.0.44.dev20260713+nightly
codegen_flags: <defaults>
</compile_context>

<pallas_src>
import jax
import jax.numpy as jnp
from jax import lax
from jax.experimental import pallas as pl
from jax.experimental.pallas import tpu as pltpu
from jax.experimental.pallas import tpu_sc as plsc

HID = 1024
MD = 64
M = 100000
Q = 1024
K = 16
ALPHA = 0.1
MAXN = 1.0 - 1e-5

CHUNK = 2048
NCH = 49
MPAD = NCH * CHUNK
TW = 128
BIN = 16
BPC = CHUNK // BIN
NBIN = NCH * BPC
CAND = K * BIN

_Q3 = 128
_Q5 = 64


def _qnet_body(hidden_ref, w1_ref, b1_ref, g_ref, b_ref, w2_ref, b2_ref,
               qo_ref, qp_ref):
    x = jnp.dot(hidden_ref[...], w1_ref[...],
                preferred_element_type=jnp.float32) + b1_ref[...]
    mu = jnp.mean(x, axis=-1, keepdims=True)
    var = jnp.var(x, axis=-1, keepdims=True)
    x = (x - mu) / jnp.sqrt(var + 1e-5) * g_ref[...] + b_ref[...]
    x = jax.nn.gelu(x)
    q = jnp.dot(x, w2_ref[...],
                preferred_element_type=jnp.float32) + b2_ref[...] + qo_ref[...]
    n = jnp.sqrt(jnp.sum(q * q, axis=-1, keepdims=True))
    scale = jnp.minimum(1.0, MAXN / jnp.maximum(n, 1e-12))
    qp_ref[...] = q * scale


def _scan_body(qp_ref, mt_ref, a_ref, binmin_ref):
    n = a_ref[0, 0:1, :]
    sm = a_ref[0, 1:2, :]
    scale = jnp.minimum(1.0, MAXN / jnp.maximum(n, 1e-12))
    mp = mt_ref[...] * scale
    invm = 1.0 / jnp.maximum(1.0 - sm, 1e-9)
    qp = qp_ref[...]
    sq = jnp.sum(qp * qp, axis=-1, keepdims=True)
    g = jnp.dot(qp, mp, preferred_element_type=jnp.float32)
    r = ((sq + sm) - 2.0 * g) * invm
    binmin_ref[...] = jnp.min(r.reshape(Q, BIN, BPC), axis=1)


def _select_body(binmin_ref, idxr_ref):
    v = binmin_ref[...]
    bid = lax.broadcasted_iota(jnp.int32, (_Q3, NBIN), 1)
    tix = lax.broadcasted_iota(jnp.int32, (_Q3, BIN), 1)
    imax = jnp.int32(2**31 - 1)
    for j in range(K):
        m = jnp.min(v, axis=-1, keepdims=True)
        elig = v <= m
        sel = jnp.min(jnp.where(elig, bid, imax), axis=-1, keepdims=True)
        v = jnp.where(bid == sel, jnp.inf, v)
        base = (sel // BPC) * CHUNK + (sel % BPC)
        idxr_ref[:, j * BIN:(j + 1) * BIN] = base + BPC * tix


def _final_body(qp_ref, rows_ref, idxr_ref, wp_ref, bp_ref, out_ref):
    qp = qp_ref[...]
    raw = rows_ref[:, :, :MD]
    n = rows_ref[:, :, MD]
    sm = rows_ref[:, :, MD + 1]
    idx = idxr_ref[...]
    scale = jnp.minimum(1.0, MAXN / jnp.maximum(n, 1e-12))
    mp = raw * scale[..., None]
    sq = jnp.sum(qp * qp, axis=-1, keepdims=True)
    dot = jnp.sum(mp * qp[:, None, :], axis=-1)
    d2 = jnp.maximum(sq + sm - 2.0 * dot, 0.0)
    denom = jnp.maximum((1.0 - sq) * (1.0 - sm), 1e-12)
    arg = jnp.maximum(1.0 + 2.0 * d2 / denom, 1.0 + 1e-7)
    dist = jnp.log(arg + jnp.sqrt(arg * arg - 1.0))
    dist = jnp.where(idx < M, dist, jnp.inf)
    d0 = dist
    selmask = jnp.zeros(dist.shape, dtype=jnp.bool_)
    imax = jnp.int32(2**31 - 1)
    for j in range(K):
        m = jnp.min(dist, axis=-1, keepdims=True)
        elig = dist <= m
        sel = jnp.min(jnp.where(elig, idx, imax), axis=-1, keepdims=True)
        pick = elig & (idx == sel)
        selmask = selmask | pick
        dist = jnp.where(pick, jnp.inf, dist)
    dmin = jnp.min(d0, axis=-1, keepdims=True)
    w = jnp.where(selmask, jnp.exp((dmin - d0) / ALPHA), 0.0)
    w = w / jnp.sum(w, axis=-1, keepdims=True)
    retrieved = jnp.sum(raw * w[..., None], axis=1)
    out_ref[...] = jnp.dot(retrieved, wp_ref[...],
                           preferred_element_type=jnp.float32) + bp_ref[...]


_SC_B = Q * CAND
_NW = 32
_BPW = _SC_B // _NW
_SC_CH = 512


def _gather_body(tab_hbm, idx_hbm, out_hbm, idx_v, rows_v, sem):
    wid = lax.axis_index("s") * 2 + lax.axis_index("c")
    base = wid * _BPW

    def step(i, carry):
        off = base + i * _SC_CH
        pltpu.sync_copy(idx_hbm.at[pl.ds(off, _SC_CH)], idx_v)
        pltpu.async_copy(tab_hbm.at[idx_v], rows_v, sem).wait()
        pltpu.sync_copy(rows_v, out_hbm.at[pl.ds(off, _SC_CH)])
        return carry

    lax.fori_loop(0, _BPW // _SC_CH, step, 0)


def _gather_rows(table, idx_flat):
    mesh = plsc.VectorSubcoreMesh(core_axis_name="c", subcore_axis_name="s")
    run = pl.kernel(
        _gather_body,
        mesh=mesh,
        out_type=jax.ShapeDtypeStruct((_SC_B, TW), jnp.float32),
        scratch_types=[
            pltpu.VMEM((_SC_CH,), jnp.int32),
            pltpu.VMEM((_SC_CH, TW), jnp.float32),
            pltpu.SemaphoreType.DMA,
        ],
    )
    return run(table, idx_flat)


def _qnet(hidden, W1, b1, ln_g, ln_b, W2, b2, q_origin):
    return pl.pallas_call(
        _qnet_body,
        out_shape=jax.ShapeDtypeStruct((Q, MD), jnp.float32),
    )(hidden, W1, b1.reshape(1, MD), ln_g.reshape(1, MD), ln_b.reshape(1, MD),
      W2, b2.reshape(1, MD), q_origin)


def _scan(qp, memt, aux):
    return pl.pallas_call(
        _scan_body,
        grid=(NCH,),
        in_specs=[
            pl.BlockSpec((Q, MD), lambda c: (0, 0)),
            pl.BlockSpec((MD, CHUNK), lambda c: (0, c)),
            pl.BlockSpec((1, 2, CHUNK), lambda c: (c, 0, 0)),
        ],
        out_specs=pl.BlockSpec((Q, BPC), lambda c: (0, c)),
        out_shape=jax.ShapeDtypeStruct((Q, NBIN), jnp.float32),
    )(qp, memt, aux)


def _select(binmin):
    return pl.pallas_call(
        _select_body,
        grid=(Q // _Q3,),
        in_specs=[pl.BlockSpec((_Q3, NBIN), lambda t: (t, 0))],
        out_specs=pl.BlockSpec((_Q3, CAND), lambda t: (t, 0)),
        out_shape=jax.ShapeDtypeStruct((Q, CAND), jnp.int32),
    )(binmin)


def _final(qp, rows, idxr, Wp, bp):
    return pl.pallas_call(
        _final_body,
        grid=(Q // _Q5,),
        in_specs=[
            pl.BlockSpec((_Q5, MD), lambda t: (t, 0)),
            pl.BlockSpec((_Q5, CAND, TW), lambda t: (t, 0, 0)),
            pl.BlockSpec((_Q5, CAND), lambda t: (t, 0)),
            pl.BlockSpec((MD, HID), lambda t: (0, 0)),
            pl.BlockSpec((1, HID), lambda t: (0, 0)),
        ],
        out_specs=pl.BlockSpec((_Q5, HID), lambda t: (t, 0)),
        out_shape=jax.ShapeDtypeStruct((Q, HID), jnp.float32),
    )(qp, rows, idxr, Wp, bp.reshape(1, HID))


def _build_tables(memory):
    n = jnp.linalg.norm(memory, axis=-1, keepdims=True)
    scale = jnp.minimum(1.0, MAXN / jnp.maximum(n, 1e-12))
    mp = memory * scale
    sm = jnp.sum(mp * mp, axis=-1, keepdims=True)
    table = jnp.concatenate(
        [memory, n, sm, jnp.zeros((M, TW - MD - 2), jnp.float32)], axis=1)
    pad_row = jnp.zeros((MPAD - M, TW), jnp.float32).at[:, MD + 1].set(jnp.inf)
    table = jnp.concatenate([table, pad_row], axis=0)
    npad = jnp.pad(n[:, 0], (0, MPAD - M))
    smpad = jnp.pad(sm[:, 0], (0, MPAD - M), constant_values=jnp.inf)
    aux = jnp.stack([npad.reshape(NCH, CHUNK), smpad.reshape(NCH, CHUNK)],
                    axis=1)
    memt = jnp.pad(memory, ((0, MPAD - M), (0, 0))).T
    return table, aux, memt


def kernel(hidden, memory, W1, b1, ln_g, ln_b, W2, b2, q_origin, Wp, bp):
    table, aux, memt = _build_tables(memory)
    qp = _qnet(hidden, W1, b1, ln_g, ln_b, W2, b2, q_origin)
    binmin = _scan(qp, memt, aux)
    idxr = _select(binmin)
    rows = _gather_rows(table, idxr.reshape(-1))
    return _final(qp, rows.reshape(Q, CAND, TW), idxr, Wp, bp)

# --- scband reference (transcript-rebuilt; emitter-appended) ---
"""Pipeline reference for scband-hybrid-memory-system-71717363909231 (READ-ONLY COPY).

The authoritative reference and input builder live on the scoring server;
editing this copy changes nothing except your own understanding.
"""

import jax, jax.numpy as jnp
import numpy as np

HIDDEN_DIM = 1024
MEMORY_DIM = 64
NUM_MEM = 100000
NUM_Q = 1024
K_NEIGHBORS = 16
ALPHA = 0.1


def setup_inputs(seed: int = 0) -> dict:
    key = jax.random.key(seed)
    ks = jax.random.split(key, 10)
    hidden = jax.random.normal(ks[0], (NUM_Q, HIDDEN_DIM), dtype=jnp.float32)
    memory = jax.random.normal(ks[1], (NUM_MEM, MEMORY_DIM), dtype=jnp.float32)
    W1 = jax.random.normal(ks[2], (HIDDEN_DIM, MEMORY_DIM), dtype=jnp.float32) / np.sqrt(HIDDEN_DIM)
    b1 = jnp.zeros((MEMORY_DIM,), jnp.float32)
    ln_g = jnp.ones((MEMORY_DIM,), jnp.float32)
    ln_b = jnp.zeros((MEMORY_DIM,), jnp.float32)
    W2 = jax.random.normal(ks[3], (MEMORY_DIM, MEMORY_DIM), dtype=jnp.float32) / np.sqrt(MEMORY_DIM)
    b2 = jnp.zeros((MEMORY_DIM,), jnp.float32)
    q_origin = jnp.zeros((1, MEMORY_DIM), jnp.float32)
    Wp = jax.random.normal(ks[4], (MEMORY_DIM, HIDDEN_DIM), dtype=jnp.float32) / np.sqrt(MEMORY_DIM)
    bp = jnp.zeros((HIDDEN_DIM,), jnp.float32)
    return {"hidden": hidden, "memory": memory, "W1": W1, "b1": b1, "ln_g": ln_g, "ln_b": ln_b, "W2": W2, "b2": b2, "q_origin": q_origin, "Wp": Wp, "bp": bp}


def _project_ball(z):
    # PoincareManifold.project: clip points strictly inside the unit ball (c=1)
    n = jnp.linalg.norm(z, axis=-1, keepdims=True)
    max_norm = 1.0 - 1e-5
    scale = jnp.minimum(1.0, max_norm / jnp.maximum(n, 1e-12))
    return z * scale


def reference(hidden, memory, W1, b1, ln_g, ln_b, W2, b2, q_origin, Wp, bp):
    # query_network: Linear -> LayerNorm -> GELU -> Linear, then add query_origin
    x = hidden @ W1 + b1
    mu = jnp.mean(x, axis=-1, keepdims=True)
    var = jnp.var(x, axis=-1, keepdims=True)
    x = (x - mu) / jnp.sqrt(var + 1e-5) * ln_g + ln_b
    x = jax.nn.gelu(x)
    q = x @ W2 + b2 + q_origin
    # project queries and memory bank onto Poincare ball
    qp = _project_ball(q)
    mp = _project_ball(memory)
    # hyperbolic (Poincare, c=1) distance: arccosh(1 + 2||x-y||^2 / ((1-||x||^2)(1-||y||^2)))
    sq = jnp.sum(qp * qp, axis=-1, keepdims=True)          # [Q, 1]
    sm = jnp.sum(mp * mp, axis=-1)                          # [M]
    d2 = jnp.maximum(sq + sm[None, :] - 2.0 * (qp @ mp.T), 0.0)
    denom = jnp.maximum((1.0 - sq) * (1.0 - sm)[None, :], 1e-12)
    arg = 1.0 + 2.0 * d2 / denom
    dist = jnp.arccosh(jnp.maximum(arg, 1.0 + 1e-7))        # [Q, M]
    # k-nearest neighbors in hyperbolic space
    neg_topk, idx = jax.lax.top_k(-dist, K_NEIGHBORS)
    w = jax.nn.softmax(neg_topk / ALPHA, axis=-1)           # [Q, k]
    gathered = jnp.take(memory, idx, axis=0)                # [Q, k, memory_dim]
    retrieved = jnp.sum(w[..., None] * gathered, axis=1)    # [Q, memory_dim]
    # memory_projection back to hidden space
    out = retrieved @ Wp + bp                               # [Q, hidden_dim]
    return out

if __name__ == "__main__":
    import jax
    _d = setup_inputs()
    print(jax.jit(kernel)(*tuple(_d.values())))

</pallas_src>

<mosaic_0001>
#map = affine_map<(d0, d1) -> (0, 0)>
#map1 = affine_map<(d0, d1) -> (0)>
module attributes {stable_mosaic.version = 14 : i64} {
  func.func @_gather_body(%arg0: i32, %arg1: i32, %arg2: memref<100352x128xf32, #tpu.memory_space<hbm>>, %arg3: memref<262144xi32, #tpu.memory_space<hbm>>, %arg4: memref<262144x128xf32, #tpu.memory_space<hbm>>, %arg5: memref<512xi32, #tpu.memory_space<vmem>>, %arg6: memref<512x128xf32, #tpu.memory_space<vmem>>, %arg7: memref<!tpu.dma_semaphore, #tpu.memory_space<semaphore_mem>>) attributes {dimension_semantics = [#tpu.dimension_semantics<core_parallel>, #tpu.dimension_semantics<subcore_parallel>], iteration_bounds = array<i64: 2, 16>, scalar_prefetch = 0 : i64, scratch_operands = 3 : i64, tpu.core_type = #tpu.core_type<sc_vector_subcore>, window_params = [{transform_indices = #map}, {transform_indices = #map1}, {transform_indices = #map}]} {
    %mul3A = arith.constant 2 : i32
    %mul3A_0 = arith.muli %arg1, %mul3A : i32
    %add3A = arith.addi %mul3A_0, %arg0 : i32
    %mul3A_1 = arith.constant 8192 : i32
    %mul3A_2 = arith.muli %add3A, %mul3A_1 : i32
    %scan3A = arith.constant 0 : i32
    %scan3A_3 = arith.constant 0 : i32
    %scan3A_4 = arith.constant 16 : i32
    %scan3A_5 = arith.addi %scan3A_3, %scan3A_4 : i32
    %scan3A_6 = arith.constant 1 : i32
    scf.for %scan3A_8 = %scan3A_3 to %scan3A_5 step %scan3A_6  : i32 {
      %mul3A_9 = arith.constant 512 : i32
      %mul3A_10 = arith.muli %scan3A_8, %mul3A_9 : i32
      %add3A_11 = arith.addi %mul3A_2, %mul3A_10 : i32
      "tpu.region"() ({
        %run_scoped3A = tpu.sem_alloc : memref<!tpu.dma_semaphore, #tpu.memory_space<semaphore_mem>>
        %dma_start3A_16 = tpu.memref_slice %arg3[%add3A_11] : memref<262144xi32, #tpu.memory_space<hbm>> -> memref<512xi32, #tpu.memory_space<hbm>>
        %dma_start3A_17 = tpu.memref_slice %arg3[%add3A_11] : memref<262144xi32, #tpu.memory_space<hbm>> -> memref<512xi32, #tpu.memory_space<hbm>>
        tpu.enqueue_dma source(%dma_start3A_17 : memref<512xi32, #tpu.memory_space<hbm>>) target(%arg5 : memref<512xi32, #tpu.memory_space<vmem>>) target_semaphore(%run_scoped3A : memref<!tpu.dma_semaphore, #tpu.memory_space<semaphore_mem>>)
        %dma_wait3A_18 = tpu.memref_slice %arg3[%add3A_11] : memref<262144xi32, #tpu.memory_space<hbm>> -> memref<512xi32, #tpu.memory_space<hbm>>
        %dma_wait3A_19 = tpu.memref_slice %arg3[%add3A_11] : memref<262144xi32, #tpu.memory_space<hbm>> -> memref<512xi32, #tpu.memory_space<hbm>>
        tpu.wait_dma2 semaphore(%run_scoped3A : memref<!tpu.dma_semaphore, #tpu.memory_space<semaphore_mem>>) src(%dma_wait3A_19 : memref<512xi32, #tpu.memory_space<hbm>>) dst(%arg5 : memref<512xi32, #tpu.memory_space<vmem>>)
        tpu.yield
      }) : () -> ()
      %dma_start3A = arith.constant 0 : i32
      %dma_start3A_12 = arith.constant 0 : i32
      %dma_start3A_13 = tpu.memref_slice %arg2[%dma_start3A, %dma_start3A_12] : memref<100352x128xf32, #tpu.memory_space<hbm>> -> memref<100352x128xf32, #tpu.memory_space<hbm>>
      tpu.enqueue_indirect_dma source(%dma_start3A_13 : memref<100352x128xf32, #tpu.memory_space<hbm>>) target(%arg6 : memref<512x128xf32, #tpu.memory_space<vmem>>) offsets(%arg5 : memref<512xi32, #tpu.memory_space<vmem>>) semaphore(%arg7 : memref<!tpu.dma_semaphore, #tpu.memory_space<semaphore_mem>>)
      %dma_wait3A = arith.constant 0 : i32
      %dma_wait3A_14 = arith.constant 0 : i32
      %dma_wait3A_15 = tpu.memref_slice %arg2[%dma_wait3A, %dma_wait3A_14] : memref<100352x128xf32, #tpu.memory_space<hbm>> -> memref<100352x128xf32, #tpu.memory_space<hbm>>
      tpu.wait_indirect_dma semaphore(%arg7 : memref<!tpu.dma_semaphore, #tpu.memory_space<semaphore_mem>>) src(%dma_wait3A_15 : memref<100352x128xf32, #tpu.memory_space<hbm>>) dst(%arg6 : memref<512x128xf32, #tpu.memory_space<vmem>>)
      "tpu.region"() ({
        %run_scoped3A = tpu.sem_alloc : memref<!tpu.dma_semaphore, #tpu.memory_space<semaphore_mem>>
        %dma_start3A_16 = arith.constant 0 : i32
        %dma_start3A_17 = tpu.memref_slice %arg4[%add3A_11, %dma_start3A_16] : memref<262144x128xf32, #tpu.memory_space<hbm>> -> memref<512x128xf32, #tpu.memory_space<hbm>>
        %dma_start3A_18 = arith.constant 0 : i32
        %dma_start3A_19 = tpu.memref_slice %arg4[%add3A_11, %dma_start3A_18] : memref<262144x128xf32, #tpu.memory_space<hbm>> -> memref<512x128xf32, #tpu.memory_space<hbm>>
        tpu.enqueue_dma source(%arg6 : memref<512x128xf32, #tpu.memory_space<vmem>>) target(%dma_start3A_19 : memref<512x128xf32, #tpu.memory_space<hbm>>) target_semaphore(%run_scoped3A : memref<!tpu.dma_semaphore, #tpu.memory_space<semaphore_mem>>)
        %dma_wait3A_20 = arith.constant 0 : i32
        %dma_wait3A_21 = tpu.memref_slice %arg4[%add3A_11, %dma_wait3A_20] : memref<262144x128xf32, #tpu.memory_space<hbm>> -> memref<512x128xf32, #tpu.memory_space<hbm>>
        %dma_wait3A_22 = arith.constant 0 : i32
        %dma_wait3A_23 = tpu.memref_slice %arg4[%add3A_11, %dma_wait3A_22] : memref<262144x128xf32, #tpu.memory_space<hbm>> -> memref<512x128xf32, #tpu.memory_space<hbm>>
        tpu.wait_dma2 semaphore(%run_scoped3A : memref<!tpu.dma_semaphore, #tpu.memory_space<semaphore_mem>>) src(%arg6 : memref<512x128xf32, #tpu.memory_space<vmem>>) dst(%dma_wait3A_23 : memref<512x128xf32, #tpu.memory_space<hbm>>)
        tpu.yield
      }) : () -> ()
    }
    %scan3A_7 = arith.constant 16 : i32
    return
  }
}

module attributes {stable_mosaic.version = 14 : i64} {
  func.func @_qnet_body(%arg0: memref<1024x1024xf32, #tpu.memory_space<vmem>>, %arg1: memref<1024x64xf32, #tpu.memory_space<vmem>>, %arg2: memref<1x64xf32, #tpu.memory_space<vmem>>, %arg3: memref<1x64xf32, #tpu.memory_space<vmem>>, %arg4: memref<1x64xf32, #tpu.memory_space<vmem>>, %arg5: memref<64x64xf32, #tpu.memory_space<vmem>>, %arg6: memref<1x64xf32, #tpu.memory_space<vmem>>, %arg7: memref<1x64xf32, #tpu.memory_space<vmem>>, %arg8: memref<1024x64xf32, #tpu.memory_space<vmem>>) attributes {dimension_semantics = [], scalar_prefetch = 0 : i64, scratch_operands = 0 : i64, tpu.core_type = #tpu.core_type<tc>} {
    %get3A = arith.constant 0 : index
    %get3A_0 = arith.constant 0 : index
    %get3A_1 = vector.load %arg0[%get3A, %get3A_0] : memref<1024x1024xf32, #tpu.memory_space<vmem>>, vector<1024x1024xf32>
    %get3A_2 = arith.constant 0 : index
    %get3A_3 = arith.constant 0 : index
    %get3A_4 = vector.load %arg1[%get3A_2, %get3A_3] : memref<1024x64xf32, #tpu.memory_space<vmem>>, vector<1024x64xf32>
    %dot_general3A = arith.constant dense<0.000000e+00> : vector<1024x64xf32>
    %dot_general3A_5 = tpu.matmul %get3A_1, %get3A_4, %dot_general3A {dimension_numbers = #tpu.dot_dimension_numbers<[1], [0], [0], [1], [0, 0, 1, 1], [], []>, transpose_lhs_hint = false} : vector<1024x1024xf32>, vector<1024x64xf32>, vector<1024x64xf32> -> vector<1024x64xf32>
    %get3A_6 = arith.constant 0 : index
    %get3A_7 = arith.constant 0 : index
    %get3A_8 = vector.load %arg2[%get3A_6, %get3A_7] : memref<1x64xf32, #tpu.memory_space<vmem>>, vector<1x64xf32>
    %add3A = vector.broadcast %get3A_8 : vector<1x64xf32> to vector<1024x64xf32>
    %add3A_9 = arith.addf %dot_general3A_5, %add3A : vector<1024x64xf32>
    %reduce_sum3A = arith.constant dense<0.000000e+00> : vector<1024xf32>
    %reduce_sum3A_10 = vector.multi_reduction <add>, %add3A_9, %reduce_sum3A [1] : vector<1024x64xf32> to vector<1024xf32>
    %broadcast_in_dim3A = vector.shape_cast %reduce_sum3A_10 : vector<1024xf32> to vector<1024x1xf32>
    %div3A = arith.constant 6.400000e+01 : f32
    %div3A_11 = vector.broadcast %div3A : f32 to vector<1024x1xf32>
    %div3A_12 = arith.divf %broadcast_in_dim3A, %div3A_11 : vector<1024x1xf32>
    %jit3A = arith.constant 0 : i32
    %reduce_sum3A_13 = arith.constant dense<0.000000e+00> : vector<1024xf32>
    %reduce_sum3A_14 = vector.multi_reduction <add>, %add3A_9, %reduce_sum3A_13 [1] : vector<1024x64xf32> to vector<1024xf32>
    %broadcast_in_dim3A_15 = vector.shape_cast %reduce_sum3A_14 : vector<1024xf32> to vector<1024x1xf32>
    %div3A_16 = arith.constant 6.400000e+01 : f32
    %div3A_17 = vector.broadcast %div3A_16 : f32 to vector<1024x1xf32>
    %div3A_18 = arith.divf %broadcast_in_dim3A_15, %div3A_17 : vector<1024x1xf32>
    %sub3A = vector.broadcast %div3A_18 : vector<1024x1xf32> to vector<1024x64xf32>
    %sub3A_19 = arith.subf %add3A_9, %sub3A : vector<1024x64xf32>
    %square3A = arith.mulf %sub3A_19, %sub3A_19 : vector<1024x64xf32>
    %convert_element_type3A = arith.sitofp %jit3A : i32 to f32
    %sub3A_20 = arith.constant 6.400000e+01 : f32
    %sub3A_21 = arith.subf %sub3A_20, %convert_element_type3A : f32
    %reduce_sum3A_22 = arith.constant dense<0.000000e+00> : vector<1024xf32>
    %reduce_sum3A_23 = vector.multi_reduction <add>, %square3A, %reduce_sum3A_22 [1] : vector<1024x64xf32> to vector<1024xf32>
    %broadcast_in_dim3A_24 = vector.shape_cast %reduce_sum3A_23 : vector<1024xf32> to vector<1024x1xf32>
    %div3A_25 = vector.broadcast %sub3A_21 : f32 to vector<1024x1xf32>
    %div3A_26 = arith.divf %broadcast_in_dim3A_24, %div3A_25 : vector<1024x1xf32>
    %gt3A = arith.constant 0.000000e+00 : f32
    %gt3A_27 = arith.cmpf ogt, %sub3A_21, %gt3A : f32
    %jit3A_28 = arith.constant 0x7FC00000 : f32
    %broadcast_in_dim3A_29 = vector.broadcast %jit3A_28 : f32 to vector<1024x1xf32>
    %select_n3A = arith.select %gt3A_27, %div3A_26, %broadcast_in_dim3A_29 : vector<1024x1xf32>
    %sub3A_30 = vector.broadcast %div3A_12 : vector<1024x1xf32> to vector<1024x64xf32>
    %sub3A_31 = arith.subf %add3A_9, %sub3A_30 : vector<1024x64xf32>
    %add3A_32 = arith.constant 9.99999974E-6 : f32
    %add3A_33 = vector.broadcast %add3A_32 : f32 to vector<1024x1xf32>
    %add3A_34 = arith.addf %select_n3A, %add3A_33 : vector<1024x1xf32>
    %sqrt3A = math.sqrt %add3A_34 : vector<1024x1xf32>
    %div3A_35 = vector.broadcast %sqrt3A : vector<1024x1xf32> to vector<1024x64xf32>
    %div3A_36 = arith.divf %sub3A_31, %div3A_35 : vector<1024x64xf32>
    %get3A_37 = arith.constant 0 : index
    %get3A_38 = arith.constant 0 : index
    %get3A_39 = vector.load %arg3[%get3A_37, %get3A_38] : memref<1x64xf32, #tpu.memory_space<vmem>>, vector<1x64xf32>
    %mul3A = vector.broadcast %get3A_39 : vector<1x64xf32> to vector<1024x64xf32>
    %mul3A_40 = arith.mulf %div3A_36, %mul3A : vector<1024x64xf32>
    %get3A_41 = arith.constant 0 : index
    %get3A_42 = arith.constant 0 : index
    %get3A_43 = vector.load %arg4[%get3A_41, %get3A_42] : memref<1x64xf32, #tpu.memory_space<vmem>>, vector<1x64xf32>
    %add3A_44 = vector.broadcast %get3A_43 : vector<1x64xf32> to vector<1024x64xf32>
    %add3A_45 = arith.addf %mul3A_40, %add3A_44 : vector<1024x64xf32>
    %integer_pow3A = arith.mulf %add3A_45, %add3A_45 : vector<1024x64xf32>
    %integer_pow3A_46 = arith.mulf %add3A_45, %integer_pow3A : vector<1024x64xf32>
    %mul3A_47 = arith.constant 4.471500e-02 : f32
    %mul3A_48 = vector.broadcast %mul3A_47 : f32 to vector<1024x64xf32>
    %mul3A_49 = arith.mulf %mul3A_48, %integer_pow3A_46 : vector<1024x64xf32>
    %add3A_50 = arith.addf %add3A_45, %mul3A_49 : vector<1024x64xf32>
    %mul3A_51 = arith.constant 0.797884583 : f32
    %mul3A_52 = vector.broadcast %mul3A_51 : f32 to vector<1024x64xf32>
    %mul3A_53 = arith.mulf %mul3A_52, %add3A_50 : vector<1024x64xf32>
    %tanh3A = math.tanh %mul3A_53 : vector<1024x64xf32>
    %add3A_54 = arith.constant 1.000000e+00 : f32
    %add3A_55 = vector.broadcast %add3A_54 : f32 to vector<1024x64xf32>
    %add3A_56 = arith.addf %add3A_55, %tanh3A : vector<1024x64xf32>
    %mul3A_57 = arith.constant 5.000000e-01 : f32
    %mul3A_58 = vector.broadcast %mul3A_57 : f32 to vector<1024x64xf32>
    %mul3A_59 = arith.mulf %mul3A_58, %add3A_56 : vector<1024x64xf32>
    %mul3A_60 = arith.mulf %add3A_45, %mul3A_59 : vector<1024x64xf32>
    %get3A_61 = arith.constant 0 : index
    %get3A_62 = arith.constant 0 : index
    %get3A_63 = vector.load %arg5[%get3A_61, %get3A_62] : memref<64x64xf32, #tpu.memory_space<vmem>>, vector<64x64xf32>
    %dot_general3A_64 = arith.constant dense<0.000000e+00> : vector<1024x64xf32>
    %dot_general3A_65 = tpu.matmul %mul3A_60, %get3A_63, %dot_general3A_64 {dimension_numbers = #tpu.dot_dimension_numbers<[1], [0], [0], [1], [0, 0, 1, 1], [], []>, transpose_lhs_hint = false} : vector<1024x64xf32>, vector<64x64xf32>, vector<1024x64xf32> -> vector<1024x64xf32>
    %get3A_66 = arith.constant 0 : index
    %get3A_67 = arith.constant 0 : index
    %get3A_68 = vector.load %arg6[%get3A_66, %get3A_67] : memref<1x64xf32, #tpu.memory_space<vmem>>, vector<1x64xf32>
    %add3A_69 = vector.broadcast %get3A_68 : vector<1x64xf32> to vector<1024x64xf32>
    %add3A_70 = arith.addf %dot_general3A_65, %add3A_69 : vector<1024x64xf32>
    %get3A_71 = arith.constant 0 : index
    %get3A_72 = arith.constant 0 : index
    %get3A_73 = vector.load %arg7[%get3A_71, %get3A_72] : memref<1x64xf32, #tpu.memory_space<vmem>>, vector<1x64xf32>
    %add3A_74 = vector.broadcast %get3A_73 : vector<1x64xf32> to vector<1024x64xf32>
    %add3A_75 = arith.addf %add3A_70, %add3A_74 : vector<1024x64xf32>
    %mul3A_76 = arith.mulf %add3A_75, %add3A_75 : vector<1024x64xf32>
    %reduce_sum3A_77 = arith.constant dense<0.000000e+00> : vector<1024xf32>
    %reduce_sum3A_78 = vector.multi_reduction <add>, %mul3A_76, %reduce_sum3A_77 [1] : vector<1024x64xf32> to vector<1024xf32>
    %broadcast_in_dim3A_79 = vector.shape_cast %reduce_sum3A_78 : vector<1024xf32> to vector<1024x1xf32>
    %sqrt3A_80 = math.sqrt %broadcast_in_dim3A_79 : vector<1024x1xf32>
    %max3A = arith.constant 9.99999996E-13 : f32
    %max3A_81 = vector.broadcast %max3A : f32 to vector<1024x1xf32>
    %max3A_82 = arith.maximumf %sqrt3A_80, %max3A_81 : vector<1024x1xf32>
    %div3A_83 = arith.constant 0.999989986 : f32
    %div3A_84 = vector.broadcast %div3A_83 : f32 to vector<1024x1xf32>
    %div3A_85 = arith.divf %div3A_84, %max3A_82 : vector<1024x1xf32>
    %min3A = arith.constant 1.000000e+00 : f32
    %min3A_86 = vector.broadcast %min3A : f32 to vector<1024x1xf32>
    %min3A_87 = arith.minimumf %min3A_86, %div3A_85 : vector<1024x1xf32>
    %mul3A_88 = vector.broadcast %min3A_87 : vector<1024x1xf32> to vector<1024x64xf32>
    %mul3A_89 = arith.mulf %add3A_75, %mul3A_88 : vector<1024x64xf32>
    %swap3A = arith.constant 0 : index
    %swap3A_90 = arith.constant 0 : index
    %swap3A_91 = vector.load %arg8[%swap3A, %swap3A_90] : memref<1024x64xf32, #tpu.memory_space<vmem>>, vector<1024x64xf32>
    tpu.vector_store %arg8[%swap3A, %swap3A_90], %mul3A_89 {strides = array<i32>} : memref<1024x64xf32, #tpu.memory_space<vmem>>, vector<1024x64xf32>,
    return
  }
}

module attributes {stable_mosaic.version = 14 : i64} {
  func.func @_scan_body(%arg0: i32, %arg1: memref<1024x64xf32, #tpu.memory_space<vmem>>, %arg2: memref<64x2048xf32, #tpu.memory_space<vmem>>, %arg3: memref<1x2x2048xf32, #tpu.memory_space<vmem>>, %arg4: memref<1024x128xf32, #tpu.memory_space<vmem>>) attributes {dimension_semantics = [#tpu.dimension_semantics<arbitrary>], iteration_bounds = array<i64: 49>, scalar_prefetch = 0 : i64, scratch_operands = 0 : i64, tpu.core_type = #tpu.core_type<tc>, window_params = [{pipeline_mode = #tpu.pipeline_mode<synchronous>, transform_indices = @transform_0, window_bounds = array<i64: 1024, 64>}, {transform_indices = @transform_1, window_bounds = array<i64: 64, 2048>}, {transform_indices = @transform_2, window_bounds = array<i64: 1, 2, 2048>}, {transform_indices = @transform_3, window_bounds = array<i64: 1024, 128>}]} {
    %get3A = arith.constant 0 : index
    %get3A_0 = arith.constant 0 : index
    %get3A_1 = arith.constant 0 : index
    %get3A_2 = vector.load %arg3[%get3A, %get3A_0, %get3A_1] : memref<1x2x2048xf32, #tpu.memory_space<vmem>>, vector<1x1x2048xf32>
    %get3A_3 = vector.shape_cast %get3A_2 : vector<1x1x2048xf32> to vector<1x2048xf32>
    %get3A_4 = arith.constant 0 : index
    %get3A_5 = arith.constant 1 : index
    %get3A_6 = arith.constant 0 : index
    %get3A_7 = vector.load %arg3[%get3A_4, %get3A_5, %get3A_6] : memref<1x2x2048xf32, #tpu.memory_space<vmem>>, vector<1x1x2048xf32>
    %get3A_8 = vector.shape_cast %get3A_7 : vector<1x1x2048xf32> to vector<1x2048xf32>
    %max3A = arith.constant 9.99999996E-13 : f32
    %max3A_9 = vector.broadcast %max3A : f32 to vector<1x2048xf32>
    %max3A_10 = arith.maximumf %get3A_3, %max3A_9 : vector<1x2048xf32>
    %div3A = arith.constant 0.999989986 : f32
    %div3A_11 = vector.broadcast %div3A : f32 to vector<1x2048xf32>
    %div3A_12 = arith.divf %div3A_11, %max3A_10 : vector<1x2048xf32>
    %min3A = arith.constant 1.000000e+00 : f32
    %min3A_13 = vector.broadcast %min3A : f32 to vector<1x2048xf32>
    %min3A_14 = arith.minimumf %min3A_13, %div3A_12 : vector<1x2048xf32>
    %get3A_15 = arith.constant 0 : index
    %get3A_16 = arith.constant 0 : index
    %get3A_17 = vector.load %arg2[%get3A_15, %get3A_16] : memref<64x2048xf32, #tpu.memory_space<vmem>>, vector<64x2048xf32>
    %mul3A = vector.broadcast %min3A_14 : vector<1x2048xf32> to vector<64x2048xf32>
    %mul3A_18 = arith.mulf %get3A_17, %mul3A : vector<64x2048xf32>
    %sub3A = arith.constant 1.000000e+00 : f32
    %sub3A_19 = vector.broadcast %sub3A : f32 to vector<1x2048xf32>
    %sub3A_20 = arith.subf %sub3A_19, %get3A_8 : vector<1x2048xf32>
    %max3A_21 = arith.constant 9.99999971E-10 : f32
    %max3A_22 = vector.broadcast %max3A_21 : f32 to vector<1x2048xf32>
    %max3A_23 = arith.maximumf %sub3A_20, %max3A_22 : vector<1x2048xf32>
    %div3A_24 = arith.constant 1.000000e+00 : f32
    %div3A_25 = vector.broadcast %div3A_24 : f32 to vector<1x2048xf32>
    %div3A_26 = arith.divf %div3A_25, %max3A_23 : vector<1x2048xf32>
    %get3A_27 = arith.constant 0 : index
    %get3A_28 = arith.constant 0 : index
    %get3A_29 = vector.load %arg1[%get3A_27, %get3A_28] : memref<1024x64xf32, #tpu.memory_space<vmem>>, vector<1024x64xf32>
    %mul3A_30 = arith.mulf %get3A_29, %get3A_29 : vector<1024x64xf32>
    %reduce_sum3A = arith.constant dense<0.000000e+00> : vector<1024xf32>
    %reduce_sum3A_31 = vector.multi_reduction <add>, %mul3A_30, %reduce_sum3A [1] : vector<1024x64xf32> to vector<1024xf32>
    %broadcast_in_dim3A = vector.shape_cast %reduce_sum3A_31 : vector<1024xf32> to vector<1024x1xf32>
    %dot_general3A = arith.constant dense<0.000000e+00> : vector<1024x2048xf32>
    %dot_general3A_32 = tpu.matmul %get3A_29, %mul3A_18, %dot_general3A {dimension_numbers = #tpu.dot_dimension_numbers<[1], [0], [0], [1], [0, 0, 1, 1], [], []>, transpose_lhs_hint = false} : vector<1024x64xf32>, vector<64x2048xf32>, vector<1024x2048xf32> -> vector<1024x2048xf32>
    %add3A = vector.broadcast %broadcast_in_dim3A : vector<1024x1xf32> to vector<1024x2048xf32>
    %add3A_33 = vector.broadcast %get3A_8 : vector<1x2048xf32> to vector<1024x2048xf32>
    %add3A_34 = arith.addf %add3A, %add3A_33 : vector<1024x2048xf32>
    %mul3A_35 = arith.constant 2.000000e+00 : f32
    %mul3A_36 = vector.broadcast %mul3A_35 : f32 to vector<1024x2048xf32>
    %mul3A_37 = arith.mulf %mul3A_36, %dot_general3A_32 : vector<1024x2048xf32>
    %sub3A_38 = arith.subf %add3A_34, %mul3A_37 : vector<1024x2048xf32>
    %mul3A_39 = vector.broadcast %div3A_26 : vector<1x2048xf32> to vector<1024x2048xf32>
    %mul3A_40 = arith.mulf %sub3A_38, %mul3A_39 : vector<1024x2048xf32>
    %reshape3A = vector.shape_cast %mul3A_40 : vector<1024x2048xf32> to vector<1024x16x128xf32>
    %reduce_min3A = arith.constant dense<0x7F800000> : vector<1024x128xf32>
    %reduce_min3A_41 = vector.multi_reduction <minimumf>, %reshape3A, %reduce_min3A [1] : vector<1024x16x128xf32> to vector<1024x128xf32>
    %swap3A = arith.constant 0 : index
    %swap3A_42 = arith.constant 0 : index
    %swap3A_43 = vector.load %arg4[%swap3A, %swap3A_42] : memref<1024x128xf32, #tpu.memory_space<vmem>>, vector<1024x128xf32>
    tpu.vector_store %arg4[%swap3A, %swap3A_42], %reduce_min3A_41 {strides = array<i32>} : memref<1024x128xf32, #tpu.memory_space<vmem>>, vector<1024x128xf32>,
    return
  }
  func.func @transform_0(%arg0: i32) -> (i32, i32) {
    %c0_i32 = arith.constant 0 : i32
    %c0_i32_0 = arith.constant 0 : i32
    %c0_i32_1 = arith.constant 0 : i32
    return %c0_i32, %c0_i32_0 : i32, i32
  }
  func.func @transform_1(%arg0: i32) -> (i32, i32) {
    %c0_i32 = arith.constant 0 : i32
    %c0_i32_0 = arith.constant 0 : i32
    return %c0_i32, %arg0 : i32, i32
  }
  func.func @transform_2(%arg0: i32) -> (i32, i32, i32) {
    %c0_i32 = arith.constant 0 : i32
    %c0_i32_0 = arith.constant 0 : i32
    %c0_i32_1 = arith.constant 0 : i32
    return %arg0, %c0_i32, %c0_i32_0 : i32, i32, i32
  }
  func.func @transform_3(%arg0: i32) -> (i32, i32) {
    %c0_i32 = arith.constant 0 : i32
    %c0_i32_0 = arith.constant 0 : i32
    return %c0_i32, %arg0 : i32, i32
  }
}

module attributes {stable_mosaic.version = 14 : i64} {
  func.func @_select_body(%arg0: i32, %arg1: memref<128x6272xf32, #tpu.memory_space<vmem>>, %arg2: memref<128x256xi32, #tpu.memory_space<vmem>>) attributes {dimension_semantics = [#tpu.dimension_semantics<arbitrary>], iteration_bounds = array<i64: 8>, scalar_prefetch = 0 : i64, scratch_operands = 0 : i64, tpu.core_type = #tpu.core_type<tc>, window_params = [{transform_indices = @transform_0, window_bounds = array<i64: 128, 6272>}, {transform_indices = @transform_1, window_bounds = array<i64: 128, 256>}]} {
    %get3A = arith.constant 0 : index
    %get3A_0 = arith.constant 0 : index
    %get3A_1 = vector.load %arg1[%get3A, %get3A_0] : memref<128x6272xf32, #tpu.memory_space<vmem>>, vector<128x6272xf32>
    %iota3A = tpu.iota {dimensions = array<i32: 1>} : vector<128x6272xi32>
    %iota3A_2 = tpu.iota {dimensions = array<i32: 1>} : vector<128x16xi32>
    %reduce_min3A = arith.constant dense<0x7F800000> : vector<128xf32>
    %reduce_min3A_3 = vector.multi_reduction <minimumf>, %get3A_1, %reduce_min3A [1] : vector<128x6272xf32> to vector<128xf32>
    %broadcast_in_dim3A = vector.shape_cast %reduce_min3A_3 : vector<128xf32> to vector<128x1xf32>
    %le3A = vector.broadcast %broadcast_in_dim3A : vector<128x1xf32> to vector<128x6272xf32>
    %le3A_4 = arith.cmpf ole, %get3A_1, %le3A : vector<128x6272xf32>
    %jit3A = arith.constant 2147483647 : i32
    %broadcast_in_dim3A_5 = vector.broadcast %jit3A : i32 to vector<128x6272xi32>
    %select_n3A = arith.select %le3A_4, %iota3A, %broadcast_in_dim3A_5 : vector<128x6272xi1>, vector<128x6272xi32>
    %reduce_min3A_6 = arith.constant dense<2147483647> : vector<128xi32>
    %reduce_min3A_7 = vector.multi_reduction <minsi>, %select_n3A, %reduce_min3A_6 [1] : vector<128x6272xi32> to vector<128xi32>
    %broadcast_in_dim3A_8 = vector.shape_cast %reduce_min3A_7 : vector<128xi32> to vector<128x1xi32>
    %eq3A = vector.broadcast %broadcast_in_dim3A_8 : vector<128x1xi32> to vector<128x6272xi32>
    %eq3A_9 = arith.cmpi eq, %iota3A, %eq3A : vector<128x6272xi32>
    %jit3A_10 = arith.constant 0x7F800000 : f32
    %broadcast_in_dim3A_11 = vector.broadcast %jit3A_10 : f32 to vector<128x6272xf32>
    %select_n3A_12 = arith.select %eq3A_9, %broadcast_in_dim3A_11, %get3A_1 : vector<128x6272xi1>, vector<128x6272xf32>
    %jit3A_13 = arith.constant 128 : i32
    %div3A = vector.broadcast %jit3A_13 : i32 to vector<128x1xi32>
    %div3A_14 = arith.divsi %broadcast_in_dim3A_8, %div3A : vector<128x1xi32>
    %sign3A = arith.constant 0 : i32
    %sign3A_15 = vector.broadcast %sign3A : i32 to vector<128x1xi32>
    %sign3A_16 = arith.cmpi sgt, %broadcast_in_dim3A_8, %sign3A_15 : vector<128x1xi32>
    %sign3A_17 = arith.extui %sign3A_16 : vector<128x1xi1> to vector<128x1xi32>
    %sign3A_18 = arith.constant 0 : i32
    %sign3A_19 = vector.broadcast %sign3A_18 : i32 to vector<128x1xi32>
    %sign3A_20 = arith.cmpi slt, %broadcast_in_dim3A_8, %sign3A_19 : vector<128x1xi32>
    %sign3A_21 = arith.extui %sign3A_20 : vector<128x1xi1> to vector<128x1xi32>
    %sign3A_22 = arith.subi %sign3A_17, %sign3A_21 : vector<128x1xi32>
    %sign3A_23 = arith.constant 0 : i32
    %sign3A_24 = arith.cmpi sgt, %jit3A_13, %sign3A_23 : i32
    %sign3A_25 = arith.extui %sign3A_24 : i1 to i32
    %sign3A_26 = arith.constant 0 : i32
    %sign3A_27 = arith.cmpi slt, %jit3A_13, %sign3A_26 : i32
    %sign3A_28 = arith.extui %sign3A_27 : i1 to i32
    %sign3A_29 = arith.subi %sign3A_25, %sign3A_28 : i32
    %ne3A = vector.broadcast %sign3A_29 : i32 to vector<128x1xi32>
    %ne3A_30 = arith.cmpi ne, %sign3A_22, %ne3A : vector<128x1xi32>
    %rem3A = vector.broadcast %jit3A_13 : i32 to vector<128x1xi32>
    %rem3A_31 = arith.remsi %broadcast_in_dim3A_8, %rem3A : vector<128x1xi32>
    %ne3A_32 = arith.constant 0 : i32
    %ne3A_33 = vector.broadcast %ne3A_32 : i32 to vector<128x1xi32>
    %ne3A_34 = arith.cmpi ne, %rem3A_31, %ne3A_33 : vector<128x1xi32>
    %and3A = arith.andi %ne3A_30, %ne3A_34 : vector<128x1xi1>
    %sub3A = arith.constant 1 : i32
    %sub3A_35 = vector.broadcast %sub3A : i32 to vector<128x1xi32>
    %sub3A_36 = arith.subi %div3A_14, %sub3A_35 : vector<128x1xi32>
    %select_n3A_37 = arith.select %and3A, %sub3A_36, %div3A_14 : vector<128x1xi1>, vector<128x1xi32>
    %mul3A = arith.constant 2048 : i32
    %mul3A_38 = vector.broadcast %mul3A : i32 to vector<128x1xi32>
    %mul3A_39 = arith.muli %select_n3A_37, %mul3A_38 : vector<128x1xi32>
    %jit3A_40 = arith.constant 128 : i32
    %eq3A_41 = arith.constant 0 : i32
    %eq3A_42 = arith.cmpi eq, %jit3A_40, %eq3A_41 : i32
    %jit3A_43 = arith.constant 1 : i32
    %select_n3A_44 = arith.select %eq3A_42, %jit3A_43, %jit3A_40 : i32
    %rem3A_45 = vector.broadcast %select_n3A_44 : i32 to vector<128x1xi32>
    %rem3A_46 = arith.remsi %broadcast_in_dim3A_8, %rem3A_45 : vector<128x1xi32>
    %ne3A_47 = arith.constant 0 : i32
    %ne3A_48 = vector.broadcast %ne3A_47 : i32 to vector<128x1xi32>
    %ne3A_49 = arith.cmpi ne, %rem3A_46, %ne3A_48 : vector<128x1xi32>
    %lt3A = arith.constant 0 : i32
    %lt3A_50 = vector.broadcast %lt3A : i32 to vector<128x1xi32>
    %lt3A_51 = arith.cmpi slt, %rem3A_46, %lt3A_50 : vector<128x1xi32>
    %lt3A_52 = arith.constant 0 : i32
    %lt3A_53 = arith.cmpi slt, %select_n3A_44, %lt3A_52 : i32
    %ne3A_54 = vector.broadcast %lt3A_53 : i1 to vector<128x1xi1>
    %ne3A_55 = vector.broadcast %ne3A_54 : vector<128x1xi1> to vector<128x1xi1>
    %ne3A_56 = arith.xori %lt3A_51, %ne3A_55 : vector<128x1xi1>
    %and3A_57 = arith.andi %ne3A_56, %ne3A_49 : vector<128x1xi1>
    %add3A = vector.broadcast %select_n3A_44 : i32 to vector<128x1xi32>
    %add3A_58 = arith.addi %rem3A_46, %add3A : vector<128x1xi32>
    %select_n3A_59 = arith.select %and3A_57, %add3A_58, %rem3A_46 : vector<128x1xi1>, vector<128x1xi32>
    %add3A_60 = arith.addi %mul3A_39, %select_n3A_59 : vector<128x1xi32>
    %mul3A_61 = arith.constant 128 : i32
    %mul3A_62 = vector.broadcast %mul3A_61 : i32 to vector<128x16xi32>
    %mul3A_63 = arith.muli %mul3A_62, %iota3A_2 : vector<128x16xi32>
    %add3A_64 = vector.broadcast %add3A_60 : vector<128x1xi32> to vector<128x16xi32>
    %add3A_65 = arith.addi %add3A_64, %mul3A_63 : vector<128x16xi32>
    %swap3A = arith.constant 0 : index
    %swap3A_66 = arith.constant 0 : index
    %swap3A_67 = vector.load %arg2[%swap3A, %swap3A_66] : memref<128x256xi32, #tpu.memory_space<vmem>>, vector<128x16xi32>
    tpu.vector_store %arg2[%swap3A, %swap3A_66], %add3A_65 {strides = array<i32>} : memref<128x256xi32, #tpu.memory_space<vmem>>, vector<128x16xi32>,
    %reduce_min3A_68 = arith.constant dense<0x7F800000> : vector<128xf32>
    %reduce_min3A_69 = vector.multi_reduction <minimumf>, %select_n3A_12, %reduce_min3A_68 [1] : vector<128x6272xf32> to vector<128xf32>
    %broadcast_in_dim3A_70 = vector.shape_cast %reduce_min3A_69 : vector<128xf32> to vector<128x1xf32>
    %le3A_71 = vector.broadcast %broadcast_in_dim3A_70 : vector<128x1xf32> to vector<128x6272xf32>
    %le3A_72 = arith.cmpf ole, %select_n3A_12, %le3A_71 : vector<128x6272xf32>
    %jit3A_73 = arith.constant 2147483647 : i32
    %broadcast_in_dim3A_74 = vector.broadcast %jit3A_73 : i32 to vector<128x6272xi32>
    %select_n3A_75 = arith.select %le3A_72, %iota3A, %broadcast_in_dim3A_74 : vector<128x6272xi1>, vector<128x6272xi32>
    %reduce_min3A_76 = arith.constant dense<2147483647> : vector<128xi32>
    %reduce_min3A_77 = vector.multi_reduction <minsi>, %select_n3A_75, %reduce_min3A_76 [1] : vector<128x6272xi32> to vector<128xi32>
    %broadcast_in_dim3A_78 = vector.shape_cast %reduce_min3A_77 : vector<128xi32> to vector<128x1xi32>
    %eq3A_79 = vector.broadcast %broadcast_in_dim3A_78 : vector<128x1xi32> to vector<128x6272xi32>
    %eq3A_80 = arith.cmpi eq, %iota3A, %eq3A_79 : vector<128x6272xi32>
    %jit3A_81 = arith.constant 0x7F800000 : f32
    %broadcast_in_dim3A_82 = vector.broadcast %jit3A_81 : f32 to vector<128x6272xf32>
    %select_n3A_83 = arith.select %eq3A_80, %broadcast_in_dim3A_82, %select_n3A_12 : vector<128x6272xi1>, vector<128x6272xf32>
    %jit3A_84 = arith.constant 128 : i32
    %div3A_85 = vector.broadcast %jit3A_84 : i32 to vector<128x1xi32>
    %div3A_86 = arith.divsi %broadcast_in_dim3A_78, %div3A_85 : vector<128x1xi32>
    %sign3A_87 = arith.constant 0 : i32
    %sign3A_88 = vector.broadcast %sign3A_87 : i32 to vector<128x1xi32>
    %sign3A_89 = arith.cmpi sgt, %broadcast_in_dim3A_78, %sign3A_88 : vector<128x1xi32>
    %sign3A_90 = arith.extui %sign3A_89 : vector<128x1xi1> to vector<128x1xi32>
    %sign3A_91 = arith.constant 0 : i32
    %sign3A_92 = vector.broadcast %sign3A_91 : i32 to vector<128x1xi32>
    %sign3A_93 = arith.cmpi slt, %broadcast_in_dim3A_78, %sign3A_92 : vector<128x1xi32>
    %sign3A_94 = arith.extui %sign3A_93 : vector<128x1xi1> to vector<128x1xi32>
    %sign3A_95 = arith.subi %sign3A_90, %sign3A_94 : vector<128x1xi32>
    %sign3A_96 = arith.constant 0 : i32
    %sign3A_97 = arith.cmpi sgt, %jit3A_84, %sign3A_96 : i32
    %sign3A_98 = arith.extui %sign3A_97 : i1 to i32
    %sign3A_99 = arith.constant 0 : i32
    %sign3A_100 = arith.cmpi slt, %jit3A_84, %sign3A_99 : i32
    %sign3A_101 = arith.extui %sign3A_100 : i1 to i32
    %sign3A_102 = arith.subi %sign3A_98, %sign3A_101 : i32
    %ne3A_103 = vector.broadcast %sign3A_102 : i32 to vector<128x1xi32>
    %ne3A_104 = arith.cmpi ne, %sign3A_95, %ne3A_103 : vector<128x1xi32>
    %rem3A_105 = vector.broadcast %jit3A_84 : i32 to vector<128x1xi32>
    %rem3A_106 = arith.remsi %broadcast_in_dim3A_78, %rem3A_105 : vector<128x1xi32>
    %ne3A_107 = arith.constant 0 : i32
    %ne3A_108 = vector.broadcast %ne3A_107 : i32 to vector<128x1xi32>
    %ne3A_109 = arith.cmpi ne, %rem3A_106, %ne3A_108 : vector<128x1xi32>
    %and3A_110 = arith.andi %ne3A_104, %ne3A_109 : vector<128x1xi1>
    %sub3A_111 = arith.constant 1 : i32
    %sub3A_112 = vector.broadcast %sub3A_111 : i32 to vector<128x1xi32>
    %sub3A_113 = arith.subi %div3A_86, %sub3A_112 : vector<128x1xi32>
    %select_n3A_114 = arith.select %and3A_110, %sub3A_113, %div3A_86 : vector<128x1xi1>, vector<128x1xi32>
    %mul3A_115 = arith.constant 2048 : i32
    %mul3A_116 = vector.broadcast %mul3A_115 : i32 to vector<128x1xi32>
    %mul3A_117 = arith.muli %select_n3A_114, %mul3A_116 : vector<128x1xi32>
    %jit3A_118 = arith.constant 128 : i32
    %eq3A_119 = arith.constant 0 : i32
    %eq3A_120 = arith.cmpi eq, %jit3A_118, %eq3A_119 : i32
    %jit3A_121 = arith.constant 1 : i32
    %select_n3A_122 = arith.select %eq3A_120, %jit3A_121, %jit3A_118 : i32
    %rem3A_123 = vector.broadcast %select_n3A_122 : i32 to vector<128x1xi32>
    %rem3A_124 = arith.remsi %broadcast_in_dim3A_78, %rem3A_123 : vector<128x1xi32>
    %ne3A_125 = arith.constant 0 : i32
    %ne3A_126 = vector.broadcast %ne3A_125 : i32 to vector<128x1xi32>
    %ne3A_127 = arith.cmpi ne, %rem3A_124, %ne3A_126 : vector<128x1xi32>
    %lt3A_128 = arith.constant 0 : i32
    %lt3A_129 = vector.broadcast %lt3A_128 : i32 to vector<128x1xi32>
    %lt3A_130 = arith.cmpi slt, %rem3A_124, %lt3A_129 : vector<128x1xi32>
    %lt3A_131 = arith.constant 0 : i32
    %lt3A_132 = arith.cmpi slt, %select_n3A_122, %lt3A_131 : i32
    %ne3A_133 = vector.broadcast %lt3A_132 : i1 to vector<128x1xi1>
    %ne3A_134 = vector.broadcast %ne3A_133 : vector<128x1xi1> to vector<128x1xi1>
    %ne3A_135 = arith.xori %lt3A_130, %ne3A_134 : vector<128x1xi1>
    %and3A_136 = arith.andi %ne3A_135, %ne3A_127 : vector<128x1xi1>
    %add3A_137 = vector.broadcast %select_n3A_122 : i32 to vector<128x1xi32>
    %add3A_138 = arith.addi %rem3A_124, %add3A_137 : vector<128x1xi32>
    %select_n3A_139 = arith.select %and3A_136, %add3A_138, %rem3A_124 : vector<128x1xi1>, vector<128x1xi32>
    %add3A_140 = arith.addi %mul3A_117, %select_n3A_139 : vector<128x1xi32>
    %mul3A_141 = arith.constant 128 : i32
    %mul3A_142 = vector.broadcast %mul3A_141 : i32 to vector<128x16xi32>
    %mul3A_143 = arith.muli %mul3A_142, %iota3A_2 : vector<128x16xi32>
    %add3A_144 = vector.broadcast %add3A_140 : vector<128x1xi32> to vector<128x16xi32>
    %add3A_145 = arith.addi %add3A_144, %mul3A_143 : vector<128x16xi32>
    %swap3A_146 = arith.constant 0 : index
    %swap3A_147 = arith.constant 16 : index
    %swap3A_148 = vector.load %arg2[%swap3A_146, %swap3A_147] : memref<128x256xi32, #tpu.memory_space<vmem>>, vector<128x16xi32>
    tpu.vector_store %arg2[%swap3A_146, %swap3A_147], %add3A_145 {strides = array<i32>} : memref<128x256xi32, #tpu.memory_space<vmem>>, vector<128x16xi32>,
    %reduce_min3A_149 = arith.constant dense<0x7F800000> : vector<128xf32>
    %reduce_min3A_150 = vector.multi_reduction <minimumf>, %select_n3A_83, %reduce_min3A_149 [1] : vector<128x6272xf32> to vector<128xf32>
    %broadcast_in_dim3A_151 = vector.shape_cast %reduce_min3A_150 : vector<128xf32> to vector<128x1xf32>
    %le3A_152 = vector.broadcast %broadcast_in_dim3A_151 : vector<128x1xf32> to vector<128x6272xf32>
    %le3A_153 = arith.cmpf ole, %select_n3A_83, %le3A_152 : vector<128x6272xf32>
    %jit3A_154 = arith.constant 2147483647 : i32
    %broadcast_in_dim3A_155 = vector.broadcast %jit3A_154 : i32 to vector<128x6272xi32>
    %select_n3A_156 = arith.select %le3A_153, %iota3A, %broadcast_in_dim3A_155 : vector<128x6272xi1>, vector<128x6272xi32>
    %reduce_min3A_157 = arith.constant dense<2147483647> : vector<128xi32>
    %reduce_min3A_158 = vector.multi_reduction <minsi>, %select_n3A_156, %reduce_min3A_157 [1] : vector<128x6272xi32> to vector<128xi32>
    %broadcast_in_dim3A_159 = vector.shape_cast %reduce_min3A_158 : vector<128xi32> to vector<128x1xi32>
    %eq3A_160 = vector.broadcast %broadcast_in_dim3A_159 : vector<128x1xi32> to vector<128x6272xi32>
    %eq3A_161 = arith.cmpi eq, %iota3A, %eq3A_160 : vector<128x6272xi32>
    %jit3A_162 = arith.constant 0x7F800000 : f32
    %broadcast_in_dim3A_163 = vector.broadcast %jit3A_162 : f32 to vector<128x6272xf32>
    %select_n3A_164 = arith.select %eq3A_161, %broadcast_in_dim3A_163, %select_n3A_83 : vector<128x6272xi1>, vector<128x6272xf32>
    %jit3A_165 = arith.constant 128 : i32
    %div3A_166 = vector.broadcast %jit3A_165 : i32 to vector<128x1xi32>
    %div3A_167 = arith.divsi %broadcast_in_dim3A_159, %div3A_166 : vector<128x1xi32>
    %sign3A_168 = arith.constant 0 : i32
    %sign3A_169 = vector.broadcast %sign3A_168 : i32 to vector<128x1xi32>
    %sign3A_170 = arith.cmpi sgt, %broadcast_in_dim3A_159, %sign3A_169 : vector<128x1xi32>
    %sign3A_171 = arith.extui %sign3A_170 : vector<128x1xi1> to vector<128x1xi32>
    %sign3A_172 = arith.constant 0 : i32
    %sign3A_173 = vector.broadcast %sign3A_172 : i32 to vector<128x1xi32>
    %sign3A_174 = arith.cmpi slt, %broadcast_in_dim3A_159, %sign3A_173 : vector<128x1xi32>
    %sign3A_175 = arith.extui %sign3A_174 : vector<128x1xi1> to vector<128x1xi32>
    %sign3A_176 = arith.subi %sign3A_171, %sign3A_175 : vector<128x1xi32>
    %sign3A_177 = arith.constant 0 : i32
    %sign3A_178 = arith.cmpi sgt, %jit3A_165, %sign3A_177 : i32
    %sign3A_179 = arith.extui %sign3A_178 : i1 to i32
    %sign3A_180 = arith.constant 0 : i32
    %sign3A_181 = arith.cmpi slt, %jit3A_165, %sign3A_180 : i32
    %sign3A_182 = arith.extui %sign3A_181 : i1 to i32
    %sign3A_183 = arith.subi %sign3A_179, %sign3A_182 : i32
    %ne3A_184 = vector.broadcast %sign3A_183 : i32 to vector<128x1xi32>
    %ne3A_185 = arith.cmpi ne, %sign3A_176, %ne3A_184 : vector<128x1xi32>
    %rem3A_186 = vector.broadcast %jit3A_165 : i32 to vector<128x1xi32>
    %rem3A_187 = arith.remsi %broadcast_in_dim3A_159, %rem3A_186 : vector<128x1xi32>
    %ne3A_188 = arith.constant 0 : i32
    %ne3A_189 = vector.broadcast %ne3A_188 : i32 to vector<128x1xi32>
    %ne3A_190 = arith.cmpi ne, %rem3A_187, %ne3A_189 : vector<128x1xi32>
    %and3A_191 = arith.andi %ne3A_185, %ne3A_190 : vector<128x1xi1>
    %sub3A_192 = arith.constant 1 : i32
    %sub3A_193 = vector.broadcast %sub3A_192 : i32 to vector<128x1xi32>
    %sub3A_194 = arith.subi %div3A_167, %sub3A_193 : vector<128x1xi32>
    %select_n3A_195 = arith.select %and3A_191, %sub3A_194, %div3A_167 : vector<128x1xi1>, vector<128x1xi32>
    %mul3A_196 = arith.constant 2048 : i32
    %mul3A_197 = vector.broadcast %mul3A_196 : i32 to vector<128x1xi32>
    %mul3A_198 = arith.muli %select_n3A_195, %mul3A_197 : vector<128x1xi32>
    %jit3A_199 = arith.constant 128 : i32
    %eq3A_200 = arith.constant 0 : i32
    %eq3A_201 = arith.cmpi eq, %jit3A_199, %eq3A_200 : i32
    %jit3A_202 = arith.constant 1 : i32
    %select_n3A_203 = arith.select %eq3A_201, %jit3A_202, %jit3A_199 : i32
    %rem3A_204 = vector.broadcast %select_n3A_203 : i32 to vector<128x1xi32>
    %rem3A_205 = arith.remsi %broadcast_in_dim3A_159, %rem3A_204 : vector<128x1xi32>
    %ne3A_206 = arith.constant 0 : i32
    %ne3A_207 = vector.broadcast %ne3A_206 : i32 to vector<128x1xi32>
    %ne3A_208 = arith.cmpi ne, %rem3A_205, %ne3A_207 : vector<128x1xi32>
    %lt3A_209 = arith.constant 0 : i32
    %lt3A_210 = vector.broadcast %lt3A_209 : i32 to vector<128x1xi32>
    %lt3A_211 = arith.cmpi slt, %rem3A_205, %lt3A_210 : vector<128x1xi32>
    %lt3A_212 = arith.constant 0 : i32
    %lt3A_213 = arith.cmpi slt, %select_n3A_203, %lt3A_212 : i32
    %ne3A_214 = vector.broadcast %lt3A_213 : i1 to vector<128x1xi1>
    %ne3A_215 = vector.broadcast %ne3A_214 : vector<128x1xi1> to vector<128x1xi1>
    %ne3A_216 = arith.xori %lt3A_211, %ne3A_215 : vector<128x1xi1>
    %and3A_217 = arith.andi %ne3A_216, %ne3A_208 : vector<128x1xi1>
    %add3A_218 = vector.broadcast %select_n3A_203 : i32 to vector<128x1xi32>
    %add3A_219 = arith.addi %rem3A_205, %add3A_218 : vector<128x1xi32>
    %select_n3A_220 = arith.select %and3A_217, %add3A_219, %rem3A_205 : vector<128x1xi1>, vector<128x1xi32>
    %add3A_221 = arith.addi %mul3A_198, %select_n3A_220 : vector<128x1xi32>
    %mul3A_222 = arith.constant 128 : i32
    %mul3A_223 = vector.broadcast %mul3A_222 : i32 to vector<128x16xi32>
    %mul3A_224 = arith.muli %mul3A_223, %iota3A_2 : vector<128x16xi32>
    %add3A_225 = vector.broadcast %add3A_221 : vector<128x1xi32> to vector<128x16xi32>
    %add3A_226 = arith.addi %add3A_225, %mul3A_224 : vector<128x16xi32>
    %swap3A_227 = arith.constant 0 : index
    %swap3A_228 = arith.constant 32 : index
    %swap3A_229 = vector.load %arg2[%swap3A_227, %swap3A_228] : memref<128x256xi32, #tpu.memory_space<vmem>>, vector<128x16xi32>
    tpu.vector_store %arg2[%swap3A_227, %swap3A_228], %add3A_226 {strides = array<i32>} : memref<128x256xi32, #tpu.memory_space<vmem>>, vector<128x16xi32>,
    %reduce_min3A_230 = arith.constant dense<0x7F800000> : vector<128xf32>
    %reduce_min3A_231 = vector.multi_reduction <minimumf>, %select_n3A_164, %reduce_min3A_230 [1] : vector<128x6272xf32> to vector<128xf32>
    %broadcast_in_dim3A_232 = vector.shape_cast %reduce_min3A_231 : vector<128xf32> to vector<128x1xf32>
    %le3A_233 = vector.broadcast %broadcast_in_dim3A_232 : vector<128x1xf32> to vector<128x6272xf32>
    %le3A_234 = arith.cmpf ole, %select_n3A_164, %le3A_233 : vector<128x6272xf32>
    %jit3A_235 = arith.constant 2147483647 : i32
    %broadcast_in_dim3A_236 = vector.broadcast %jit3A_235 : i32 to vector<128x6272xi32>
    %select_n3A_237 = arith.select %le3A_234, %iota3A, %broadcast_in_dim3A_236 : vector<128x6272xi1>, vector<128x6272xi32>
    %reduce_min3A_238 = arith.constant dense<2147483647> : vector<128xi32>
    %reduce_min3A_239 = vector.multi_reduction <minsi>, %select_n3A_237, %reduce_min3A_238 [1] : vector<128x6272xi32> to vector<128xi32>
    %broadcast_in_dim3A_240 = vector.shape_cast %reduce_min3A_239 : vector<128xi32> to vector<128x1xi32>
    %eq3A_241 = vector.broadcast %broadcast_in_dim3A_240 : vector<128x1xi32> to vector<128x6272xi32>
    %eq3A_242 = arith.cmpi eq, %iota3A, %eq3A_241 : vector<128x6272xi32>
    %jit3A_243 = arith.constant 0x7F800000 : f32
    %broadcast_in_dim3A_244 = vector.broadcast %jit3A_243 : f32 to vector<128x6272xf32>
    %select_n3A_245 = arith.select %eq3A_242, %broadcast_in_dim3A_244, %select_n3A_164 : vector<128x6272xi1>, vector<128x6272xf32>
    %jit3A_246 = arith.constant 128 : i32
    %div3A_247 = vector.broadcast %jit3A_246 : i32 to vector<128x1xi32>
    %div3A_248 = arith.divsi %broadcast_in_dim3A_240, %div3A_247 : vector<128x1xi32>
    %sign3A_249 = arith.constant 0 : i32
    %sign3A_250 = vector.broadcast %sign3A_249 : i32 to vector<128x1xi32>
    %sign3A_251 = arith.cmpi sgt, %broadcast_in_dim3A_240, %sign3A_250 : vector<128x1xi32>
    %sign3A_252 = arith.extui %sign3A_251 : vector<128x1xi1> to vector<128x1xi32>
    %sign3A_253 = arith.constant 0 : i32
    %sign3A_254 = vector.broadcast %sign3A_253 : i32 to vector<128x1xi32>
    %sign3A_255 = arith.cmpi slt, %broadcast_in_dim3A_240, %sign3A_254 : vector<128x1xi32>
    %sign3A_256 = arith.extui %sign3A_255 : vector<128x1xi1> to vector<128x1xi32>
    %sign3A_257 = arith.subi %sign3A_252, %sign3A_256 : vector<128x1xi32>
    %sign3A_258 = arith.constant 0 : i32
    %sign3A_259 = arith.cmpi sgt, %jit3A_246, %sign3A_258 : i32
    %sign3A_260 = arith.extui %sign3A_259 : i1 to i32
    %sign3A_261 = arith.constant 0 : i32
    %sign3A_262 = arith.cmpi slt, %jit3A_246, %sign3A_261 : i32
    %sign3A_263 = arith.extui %sign3A_262 : i1 to i32
    %sign3A_264 = arith.subi %sign3A_260, %sign3A_263 : i32
    %ne3A_265 = vector.broadcast %sign3A_264 : i32 to vector<128x1xi32>
    %ne3A_266 = arith.cmpi ne, %sign3A_257, %ne3A_265 : vector<128x1xi32>
    %rem3A_267 = vector.broadcast %jit3A_246 : i32 to vector<128x1xi32>
    %rem3A_268 = arith.remsi %broadcast_in_dim3A_240, %rem3A_267 : vector<128x1xi32>
    %ne3A_269 = arith.constant 0 : i32
    %ne3A_270 = vector.broadcast %ne3A_269 : i32 to vector<128x1xi32>
    %ne3A_271 = arith.cmpi ne, %rem3A_268, %ne3A_270 : vector<128x1xi32>
    %and3A_272 = arith.andi %ne3A_266, %ne3A_271 : vector<128x1xi1>
    %sub3A_273 = arith.constant 1 : i32
    %sub3A_274 = vector.broadcast %sub3A_273 : i32 to vector<128x1xi32>
    %sub3A_275 = arith.subi %div3A_248, %sub3A_274 : vector<128x1xi32>
    %select_n3A_276 = arith.select %and3A_272, %sub3A_275, %div3A_248 : vector<128x1xi1>, vector<128x1xi32>
    %mul3A_277 = arith.constant 2048 : i32
    %mul3A_278 = vector.broadcast %mul3A_277 : i32 to vector<128x1xi32>
    %mul3A_279 = arith.muli %select_n3A_276, %mul3A_278 : vector<128x1xi32>
    %jit3A_280 = arith.constant 128 : i32
    %eq3A_281 = arith.constant 0 : i32
    %eq3A_282 = arith.cmpi eq, %jit3A_280, %eq3A_281 : i32
    %jit3A_283 = arith.constant 1 : i32
    %select_n3A_284 = arith.select %eq3A_282, %jit3A_283, %jit3A_280 : i32
    %rem3A_285 = vector.broadcast %select_n3A_284 : i32 to vector<128x1xi32>
    %rem3A_286 = arith.remsi %broadcast_in_dim3A_240, %rem3A_285 : vector<128x1xi32>
    %ne3A_287 = arith.constant 0 : i32
    %ne3A_288 = vector.broadcast %ne3A_287 : i32 to vector<128x1xi32>
    %ne3A_289 = arith.cmpi ne, %rem3A_286, %ne3A_288 : vector<128x1xi32>
    %lt3A_290 = arith.constant 0 : i32
    %lt3A_291 = vector.broadcast %lt3A_290 : i32 to vector<128x1xi32>
    %lt3A_292 = arith.cmpi slt, %rem3A_286, %lt3A_291 : vector<128x1xi32>
    %lt3A_293 = arith.constant 0 : i32
    %lt3A_294 = arith.cmpi slt, %select_n3A_284, %lt3A_293 : i32
    %ne3A_295 = vector.broadcast %lt3A_294 : i1 to vector<128x1xi1>
    %ne3A_296 = vector.broadcast %ne3A_295 : vector<128x1xi1> to vector<128x1xi1>
    %ne3A_297 = arith.xori %lt3A_292, %ne3A_296 : vector<128x1xi1>
    %and3A_298 = arith.andi %ne3A_297, %ne3A_289 : vector<128x1xi1>
    %add3A_299 = vector.broadcast %select_n3A_284 : i32 to vector<128x1xi32>
    %add3A_300 = arith.addi %rem3A_286, %add3A_299 : vector<128x1xi32>
    %select_n3A_301 = arith.select %and3A_298, %add3A_300, %rem3A_286 : vector<128x1xi1>, vector<128x1xi32>
    %add3A_302 = arith.addi %mul3A_279, %select_n3A_301 : vector<128x1xi32>
    %mul3A_303 = arith.constant 128 : i32
    %mul3A_304 = vector.broadcast %mul3A_303 : i32 to vector<128x16xi32>
    %mul3A_305 = arith.muli %mul3A_304, %iota3A_2 : vector<128x16xi32>
    %add3A_306 = vector.broadcast %add3A_302 : vector<128x1xi32> to vector<128x16xi32>
    %add3A_307 = arith.addi %add3A_306, %mul3A_305 : vector<128x16xi32>
    %swap3A_308 = arith.constant 0 : index
    %swap3A_309 = arith.constant 48 : index
    %swap3A_310 = vector.load %arg2[%swap3A_308, %swap3A_309] : memref<128x256xi32, #tpu.memory_space<vmem>>, vector<128x16xi32>
    tpu.vector_store %arg2[%swap3A_308, %swap3A_309], %add3A_307 {strides = array<i32>} : memref<128x256xi32, #tpu.memory_space<vmem>>, vector<128x16xi32>,
    %reduce_min3A_311 = arith.constant dense<0x7F800000> : vector<128xf32>
    %reduce_min3A_312 = vector.multi_reduction <minimumf>, %select_n3A_245, %reduce_min3A_311 [1] : vector<128x6272xf32> to vector<128xf32>
    %broadcast_in_dim3A_313 = vector.shape_cast %reduce_min3A_312 : vector<128xf32> to vector<128x1xf32>
    %le3A_314 = vector.broadcast %broadcast_in_dim3A_313 : vector<128x1xf32> to vector<128x6272xf32>
    %le3A_315 = arith.cmpf ole, %select_n3A_245, %le3A_314 : vector<128x6272xf32>
    %jit3A_316 = arith.constant 2147483647 : i32
    %broadcast_in_dim3A_317 = vector.broadcast %jit3A_316 : i32 to vector<128x6272xi32>
    %select_n3A_318 = arith.select %le3A_315, %iota3A, %broadcast_in_dim3A_317 : vector<128x6272xi1>, vector<128x6272xi32>
    %reduce_min3A_319 = arith.constant dense<2147483647> : vector<128xi32>
    %reduce_min3A_320 = vector.multi_reduction <minsi>, %select_n3A_318, %reduce_min3A_319 [1] : vector<128x6272xi32> to vector<128xi32>
    %broadcast_in_dim3A_321 = vector.shape_cast %reduce_min3A_320 : vector<128xi32> to vector<128x1xi32>
    %eq3A_322 = vector.broadcast %broadcast_in_dim3A_321 : vector<128x1xi32> to vector<128x6272xi32>
    %eq3A_323 = arith.cmpi eq, %iota3A, %eq3A_322 : vector<128x6272xi32>
    %jit3A_324 = arith.constant 0x7F800000 : f32
    %broadcast_in_dim3A_325 = vector.broadcast %jit3A_324 : f32 to vector<128x6272xf32>
    %select_n3A_326 = arith.select %eq3A_323, %broadcast_in_dim3A_325, %select_n3A_245 : vector<128x6272xi1>, vector<128x6272xf32>
    %jit3A_327 = arith.constant 128 : i32
    %div3A_328 = vector.broadcast %jit3A_327 : i32 to vector<128x1xi32>
    %div3A_329 = arith.divsi %broadcast_in_dim3A_321, %div3A_328 : vector<128x1xi32>
    %sign3A_330 = arith.constant 0 : i32
    %sign3A_331 = vector.broadcast %sign3A_330 : i32 to vector<128x1xi32>
    %sign3A_332 = arith.cmpi sgt, %broadcast_in_dim3A_321, %sign3A_331 : vector<128x1xi32>
    %sign3A_333 = arith.extui %sign3A_332 : vector<128x1xi1> to vector<128x1xi32>
    %sign3A_334 = arith.constant 0 : i32
    %sign3A_335 = vector.broadcast %sign3A_334 : i32 to vector<128x1xi32>
    %sign3A_336 = arith.cmpi slt, %broadcast_in_dim3A_321, %sign3A_335 : vector<128x1xi32>
    %sign3A_337 = arith.extui %sign3A_336 : vector<128x1xi1> to vector<128x1xi32>
    %sign3A_338 = arith.subi %sign3A_333, %sign3A_337 : vector<128x1xi32>
    %sign3A_339 = arith.constant 0 : i32
    %sign3A_340 = arith.cmpi sgt, %jit3A_327, %sign3A_339 : i32
    %sign3A_341 = arith.extui %sign3A_340 : i1 to i32
    %sign3A_342 = arith.constant 0 : i32
    %sign3A_343 = arith.cmpi slt, %jit3A_327, %sign3A_342 : i32
    %sign3A_344 = arith.extui %sign3A_343 : i1 to i32
    %sign3A_345 = arith.subi %sign3A_341, %sign3A_344 : i32
    %ne3A_346 = vector.broadcast %sign3A_345 : i32 to vector<128x1xi32>
    %ne3A_347 = arith.cmpi ne, %sign3A_338, %ne3A_346 : vector<128x1xi32>
    %rem3A_348 = vector.broadcast %jit3A_327 : i32 to vector<128x1xi32>
    %rem3A_349 = arith.remsi %broadcast_in_dim3A_321, %rem3A_348 : vector<128x1xi32>
    %ne3A_350 = arith.constant 0 : i32
    %ne3A_351 = vector.broadcast %ne3A_350 : i32 to vector<128x1xi32>
    %ne3A_352 = arith.cmpi ne, %rem3A_349, %ne3A_351 : vector<128x1xi32>
    %and3A_353 = arith.andi %ne3A_347, %ne3A_352 : vector<128x1xi1>
    %sub3A_354 = arith.constant 1 : i32
    %sub3A_355 = vector.broadcast %sub3A_354 : i32 to vector<128x1xi32>
    %sub3A_356 = arith.subi %div3A_329, %sub3A_355 : vector<128x1xi32>
    %select_n3A_357 = arith.select %and3A_353, %sub3A_356, %div3A_329 : vector<128x1xi1>, vector<128x1xi32>
    %mul3A_358 = arith.constant 2048 : i32
    %mul3A_359 = vector.broadcast %mul3A_358 : i32 to vector<128x1xi32>
    %mul3A_360 = arith.muli %select_n3A_357, %mul3A_359 : vector<128x1xi32>
    %jit3A_361 = arith.constant 128 : i32
    %eq3A_362 = arith.constant 0 : i32
    %eq3A_363 = arith.cmpi eq, %jit3A_361, %eq3A_362 : i32
    %jit3A_364 = arith.constant 1 : i32
    %select_n3A_365 = arith.select %eq3A_363, %jit3A_364, %jit3A_361 : i32
    %rem3A_366 = vector.broadcast %select_n3A_365 : i32 to vector<128x1xi32>
    %rem3A_367 = arith.remsi %broadcast_in_dim3A_321, %rem3A_366 : vector<128x1xi32>
    %ne3A_368 = arith.constant 0 : i32
    %ne3A_369 = vector.broadcast %ne3A_368 : i32 to vector<128x1xi32>
    %ne3A_370 = arith.cmpi ne, %rem3A_367, %ne3A_369 : vector<128x1xi32>
    %lt3A_371 = arith.constant 0 : i32
    %lt3A_372 = vector.broadcast %lt3A_371 : i32 to vector<128x1xi32>
    %lt3A_373 = arith.cmpi slt, %rem3A_367, %lt3A_372 : vector<128x1xi32>
    %lt3A_374 = arith.constant 0 : i32
    %lt3A_375 = arith.cmpi slt, %select_n3A_365, %lt3A_374 : i32
    %ne3A_376 = vector.broadcast %lt3A_375 : i1 to vector<128x1xi1>
    %ne3A_377 = vector.broadcast %ne3A_376 : vector<128x1xi1> to vector<128x1xi1>
    %ne3A_378 = arith.xori %lt3A_373, %ne3A_377 : vector<128x1xi1>
    %and3A_379 = arith.andi %ne3A_378, %ne3A_370 : vector<128x1xi1>
    %add3A_380 = vector.broadcast %select_n3A_365 : i32 to vector<128x1xi32>
    %add3A_381 = arith.addi %rem3A_367, %add3A_380 : vector<128x1xi32>
    %select_n3A_382 = arith.select %and3A_379, %add3A_381, %rem3A_367 : vector<128x1xi1>, vector<128x1xi32>
    %add3A_383 = arith.addi %mul3A_360, %select_n3A_382 : vector<128x1xi32>
    %mul3A_384 = arith.constant 128 : i32
    %mul3A_385 = vector.broadcast %mul3A_384 : i32 to vector<128x16xi32>
    %mul3A_386 = arith.muli %mul3A_385, %iota3A_2 : vector<128x16xi32>
    %add3A_387 = vector.broadcast %add3A_383 : vector<128x1xi32> to vector<128x16xi32>
    %add3A_388 = arith.addi %add3A_387, %mul3A_386 : vector<128x16xi32>
    %swap3A_389 = arith.constant 0 : index
    %swap3A_390 = arith.constant 64 : index
    %swap3A_391 = vector.load %arg2[%swap3A_389, %swap3A_390] : memref<128x256xi32, #tpu.memory_space<vmem>>, vector<128x16xi32>
    tpu.vector_store %arg2[%swap3A_389, %swap3A_390], %add3A_388 {strides = array<i32>} : memref<128x256xi32, #tpu.memory_space<vmem>>, vector<128x16xi32>,
    %reduce_min3A_392 = arith.constant dense<0x7F800000> : vector<128xf32>
    %reduce_min3A_393 = vector.multi_reduction <minimumf>, %select_n3A_326, %reduce_min3A_392 [1] : vector<128x6272xf32> to vector<128xf32>
    %broadcast_in_dim3A_394 = vector.shape_cast %reduce_min3A_393 : vector<128xf32> to vector<128x1xf32>
    %le3A_395 = vector.broadcast %broadcast_in_dim3A_394 : vector<128x1xf32> to vector<128x6272xf32>
    %le3A_396 = arith.cmpf ole, %select_n3A_326, %le3A_395 : vector<128x6272xf32>
    %jit3A_397 = arith.constant 2147483647 : i32
    %broadcast_in_dim3A_398 = vector.broadcast %jit3A_397 : i32 to vector<128x6272xi32>
    %select_n3A_399 = arith.select %le3A_396, %iota3A, %broadcast_in_dim3A_398 : vector<128x6272xi1>, vector<128x6272xi32>
    %reduce_min3A_400 = arith.constant dense<2147483647> : vector<128xi32>
    %reduce_min3A_401 = vector.multi_reduction <minsi>, %select_n3A_399, %reduce_min3A_400 [1] : vector<128x6272xi32> to vector<128xi32>
    %broadcast_in_dim3A_402 = vector.shape_cast %reduce_min3A_401 : vector<128xi32> to vector<128x1xi32>
    %eq3A_403 = vector.broadcast %broadcast_in_dim3A_402 : vector<128x1xi32> to vector<128x6272xi32>
    %eq3A_404 = arith.cmpi eq, %iota3A, %eq3A_403 : vector<128x6272xi32>
    %jit3A_405 = arith.constant 0x7F800000 : f32
    %broadcast_in_dim3A_406 = vector.broadcast %jit3A_405 : f32 to vector<128x6272xf32>
    %select_n3A_407 = arith.select %eq3A_404, %broadcast_in_dim3A_406, %select_n3A_326 : vector<128x6272xi1>, vector<128x6272xf32>
    %jit3A_408 = arith.constant 128 : i32
    %div3A_409 = vector.broadcast %jit3A_408 : i32 to vector<128x1xi32>
    %div3A_410 = arith.divsi %broadcast_in_dim3A_402, %div3A_409 : vector<128x1xi32>
    %sign3A_411 = arith.constant 0 : i32
    %sign3A_412 = vector.broadcast %sign3A_411 : i32 to vector<128x1xi32>
    %sign3A_413 = arith.cmpi sgt, %broadcast_in_dim3A_402, %sign3A_412 : vector<128x1xi32>
    %sign3A_414 = arith.extui %sign3A_413 : vector<128x1xi1> to vector<128x1xi32>
    %sign3A_415 = arith.constant 0 : i32
    %sign3A_416 = vector.broadcast %sign3A_415 : i32 to vector<128x1xi32>
    %sign3A_417 = arith.cmpi slt, %broadcast_in_dim3A_402, %sign3A_416 : vector<128x1xi32>
    %sign3A_418 = arith.extui %sign3A_417 : vector<128x1xi1> to vector<128x1xi32>
    %sign3A_419 = arith.subi %sign3A_414, %sign3A_418 : vector<128x1xi32>
    %sign3A_420 = arith.constant 0 : i32
    %sign3A_421 = arith.cmpi sgt, %jit3A_408, %sign3A_420 : i32
    %sign3A_422 = arith.extui %sign3A_421 : i1 to i32
    %sign3A_423 = arith.constant 0 : i32
    %sign3A_424 = arith.cmpi slt, %jit3A_408, %sign3A_423 : i32
    %sign3A_425 = arith.extui %sign3A_424 : i1 to i32
    %sign3A_426 = arith.subi %sign3A_422, %sign3A_425 : i32
    %ne3A_427 = vector.broadcast %sign3A_426 : i32 to vector<128x1xi32>
    %ne3A_428 = arith.cmpi ne, %sign3A_419, %ne3A_427 : vector<128x1xi32>
    %rem3A_429 = vector.broadcast %jit3A_408 : i32 to vector<128x1xi32>
    %rem3A_430 = arith.remsi %broadcast_in_dim3A_402, %rem3A_429 : vector<128x1xi32>
    %ne3A_431 = arith.constant 0 : i32
    %ne3A_432 = vector.broadcast %ne3A_431 : i32 to vector<128x1xi32>
    %ne3A_433 = arith.cmpi ne, %rem3A_430, %ne3A_432 : vector<128x1xi32>
    %and3A_434 = arith.andi %ne3A_428, %ne3A_433 : vector<128x1xi1>
    %sub3A_435 = arith.constant 1 : i32
    %sub3A_436 = vector.broadcast %sub3A_435 : i32 to vector<128x1xi32>
    %sub3A_437 = arith.subi %div3A_410, %sub3A_436 : vector<128x1xi32>
    %select_n3A_438 = arith.select %and3A_434, %sub3A_437, %div3A_410 : vector<128x1xi1>, vector<128x1xi32>
    %mul3A_439 = arith.constant 2048 : i32
    %mul3A_440 = vector.broadcast %mul3A_439 : i32 to vector<128x1xi32>
    %mul3A_441 = arith.muli %select_n3A_438, %mul3A_440 : vector<128x1xi32>
    %jit3A_442 = arith.constant 128 : i32
    %eq3A_443 = arith.constant 0 : i32
    %eq3A_444 = arith.cmpi eq, %jit3A_442, %eq3A_443 : i32
    %jit3A_445 = arith.constant 1 : i32
    %select_n3A_446 = arith.select %eq3A_444, %jit3A_445, %jit3A_442 : i32
    %rem3A_447 = vector.broadcast %select_n3A_446 : i32 to vector<128x1xi32>
    %rem3A_448 = arith.remsi %broadcast_in_dim3A_402, %rem3A_447 : vector<128x1xi32>
    %ne3A_449 = arith.constant 0 : i32
    %ne3A_450 = vector.broadcast %ne3A_449 : i32 to vector<128x1xi32>
    %ne3A_451 = arith.cmpi ne, %rem3A_448, %ne3A_450 : vector<128x1xi32>
    %lt3A_452 = arith.constant 0 : i32
    %lt3A_453 = vector.broadcast %lt3A_452 : i32 to vector<128x1xi32>
    %lt3A_454 = arith.cmpi slt, %rem3A_448, %lt3A_453 : vector<128x1xi32>
    %lt3A_455 = arith.constant 0 : i32
    %lt3A_456 = arith.cmpi slt, %select_n3A_446, %lt3A_455 : i32
    %ne3A_457 = vector.broadcast %lt3A_456 : i1 to vector<128x1xi1>
    %ne3A_458 = vector.broadcast %ne3A_457 : vector<128x1xi1> to vector<128x1xi1>
    %ne3A_459 = arith.xori %lt3A_454, %ne3A_458 : vector<128x1xi1>
    %and3A_460 = arith.andi %ne3A_459, %ne3A_451 : vector<128x1xi1>
    %add3A_461 = vector.broadcast %select_n3A_446 : i32 to vector<128x1xi32>
    %add3A_462 = arith.addi %rem3A_448, %add3A_461 : vector<128x1xi32>
    %select_n3A_463 = arith.select %and3A_460, %add3A_462, %rem3A_448 : vector<128x1xi1>, vector<128x1xi32>
    %add3A_464 = arith.addi %mul3A_441, %select_n3A_463 : vector<128x1xi32>
    %mul3A_465 = arith.constant 128 : i32
    %mul3A_466 = vector.broadcast %mul3A_465 : i32 to vector<128x16xi32>
    %mul3A_467 = arith.muli %mul3A_466, %iota3A_2 : vector<128x16xi32>
    %add3A_468 = vector.broadcast %add3A_464 : vector<128x1xi32> to vector<128x16xi32>
    %add3A_469 = arith.addi %add3A_468, %mul3A_467 : vector<128x16xi32>
    %swap3A_470 = arith.constant 0 : index
    %swap3A_471 = arith.constant 80 : index
    %swap3A_472 = vector.load %arg2[%swap3A_470, %swap3A_471] : memref<128x256xi32, #tpu.memory_space<vmem>>, vector<128x16xi32>
    tpu.vector_store %arg2[%swap3A_470, %swap3A_471], %add3A_469 {strides = array<i32>} : memref<128x256xi32, #tpu.memory_space<vmem>>, vector<128x16xi32>,
    %reduce_min3A_473 = arith.constant dense<0x7F800000> : vector<128xf32>
    %reduce_min3A_474 = vector.multi_reduction <minimumf>, %select_n3A_407, %reduce_min3A_473 [1] : vector<128x6272xf32> to vector<128xf32>
    %broadcast_in_dim3A_475 = vector.shape_cast %reduce_min3A_474 : vector<128xf32> to vector<128x1xf32>
    %le3A_476 = vector.broadcast %broadcast_in_dim3A_475 : vector<128x1xf32> to vector<128x6272xf32>
    %le3A_477 = arith.cmpf ole, %select_n3A_407, %le3A_476 : vector<128x6272xf32>
    %jit3A_478 = arith.constant 2147483647 : i32
    %broadcast_in_dim3A_479 = vector.broadcast %jit3A_478 : i32 to vector<128x6272xi32>
    %select_n3A_480 = arith.select %le3A_477, %iota3A, %broadcast_in_dim3A_479 : vector<128x6272xi1>, vector<128x6272xi32>
    %reduce_min3A_481 = arith.constant dense<2147483647> : vector<128xi32>
    %reduce_min3A_482 = vector.multi_reduction <minsi>, %select_n3A_480, %reduce_min3A_481 [1] : vector<128x6272xi32> to vector<128xi32>
    %broadcast_in_dim3A_483 = vector.shape_cast %reduce_min3A_482 : vector<128xi32> to vector<128x1xi32>
    %eq3A_484 = vector.broadcast %broadcast_in_dim3A_483 : vector<128x1xi32> to vector<128x6272xi32>
    %eq3A_485 = arith.cmpi eq, %iota3A, %eq3A_484 : vector<128x6272xi32>
    %jit3A_486 = arith.constant 0x7F800000 : f32
    %broadcast_in_dim3A_487 = vector.broadcast %jit3A_486 : f32 to vector<128x6272xf32>
    %select_n3A_488 = arith.select %eq3A_485, %broadcast_in_dim3A_487, %select_n3A_407 : vector<128x6272xi1>, vector<128x6272xf32>
    %jit3A_489 = arith.constant 128 : i32
    %div3A_490 = vector.broadcast %jit3A_489 : i32 to vector<128x1xi32>
    %div3A_491 = arith.divsi %broadcast_in_dim3A_483, %div3A_490 : vector<128x1xi32>
    %sign3A_492 = arith.constant 0 : i32
    %sign3A_493 = vector.broadcast %sign3A_492 : i32 to vector<128x1xi32>
    %sign3A_494 = arith.cmpi sgt, %broadcast_in_dim3A_483, %sign3A_493 : vector<128x1xi32>
    %sign3A_495 = arith.extui %sign3A_494 : vector<128x1xi1> to vector<128x1xi32>
    %sign3A_496 = arith.constant 0 : i32
    %sign3A_497 = vector.broadcast %sign3A_496 : i32 to vector<128x1xi32>
    %sign3A_498 = arith.cmpi slt, %broadcast_in_dim3A_483, %sign3A_497 : vector<128x1xi32>
    %sign3A_499 = arith.extui %sign3A_498 : vector<128x1xi1> to vector<128x1xi32>
    %sign3A_500 = arith.subi %sign3A_495, %sign3A_499 : vector<128x1xi32>
    %sign3A_501 = arith.constant 0 : i32
    %sign3A_502 = arith.cmpi sgt, %jit3A_489, %sign3A_501 : i32
    %sign3A_503 = arith.extui %sign3A_502 : i1 to i32
    %sign3A_504 = arith.constant 0 : i32
    %sign3A_505 = arith.cmpi slt, %jit3A_489, %sign3A_504 : i32
    %sign3A_506 = arith.extui %sign3A_505 : i1 to i32
    %sign3A_507 = arith.subi %sign3A_503, %sign3A_506 : i32
    %ne3A_508 = vector.broadcast %sign3A_507 : i32 to vector<128x1xi32>
    %ne3A_509 = arith.cmpi ne, %sign3A_500, %ne3A_508 : vector<128x1xi32>
    %rem3A_510 = vector.broadcast %jit3A_489 : i32 to vector<128x1xi32>
    %rem3A_511 = arith.remsi %broadcast_in_dim3A_483, %rem3A_510 : vector<128x1xi32>
    %ne3A_512 = arith.constant 0 : i32
    %ne3A_513 = vector.broadcast %ne3A_512 : i32 to vector<128x1xi32>
    %ne3A_514 = arith.cmpi ne, %rem3A_511, %ne3A_513 : vector<128x1xi32>
    %and3A_515 = arith.andi %ne3A_509, %ne3A_514 : vector<128x1xi1>
    %sub3A_516 = arith.constant 1 : i32
    %sub3A_517 = vector.broadcast %sub3A_516 : i32 to vector<128x1xi32>
    %sub3A_518 = arith.subi %div3A_491, %sub3A_517 : vector<128x1xi32>
    %select_n3A_519 = arith.select %and3A_515, %sub3A_518, %div3A_491 : vector<128x1xi1>, vector<128x1xi32>
    %mul3A_520 = arith.constant 2048 : i32
    %mul3A_521 = vector.broadcast %mul3A_520 : i32 to vector<128x1xi32>
    %mul3A_522 = arith.muli %select_n3A_519, %mul3A_521 : vector<128x1xi32>
    %jit3A_523 = arith.constant 128 : i32
    %eq3A_524 = arith.constant 0 : i32
    %eq3A_525 = arith.cmpi eq, %jit3A_523, %eq3A_524 : i32
    %jit3A_526 = arith.constant 1 : i32
    %select_n3A_527 = arith.select %eq3A_525, %jit3A_526, %jit3A_523 : i32
    %rem3A_528 = vector.broadcast %select_n3A_527 : i32 to vector<128x1xi32>
    %rem3A_529 = arith.remsi %broadcast_in_dim3A_483, %rem3A_528 : vector<128x1xi32>
    %ne3A_530 = arith.constant 0 : i32
    %ne3A_531 = vector.broadcast %ne3A_530 : i32 to vector<128x1xi32>
    %ne3A_532 = arith.cmpi ne, %rem3A_529, %ne3A_531 : vector<128x1xi32>
    %lt3A_533 = arith.constant 0 : i32
    %lt3A_534 = vector.broadcast %lt3A_533 : i32 to vector<128x1xi32>
    %lt3A_535 = arith.cmpi slt, %rem3A_529, %lt3A_534 : vector<128x1xi32>
    %lt3A_536 = arith.constant 0 : i32
    %lt3A_537 = arith.cmpi slt, %select_n3A_527, %lt3A_536 : i32
    %ne3A_538 = vector.broadcast %lt3A_537 : i1 to vector<128x1xi1>
    %ne3A_539 = vector.broadcast %ne3A_538 : vector<128x1xi1> to vector<128x1xi1>
    %ne3A_540 = arith.xori %lt3A_535, %ne3A_539 : vector<128x1xi1>
    %and3A_541 = arith.andi %ne3A_540, %ne3A_532 : vector<128x1xi1>
    %add3A_542 = vector.broadcast %select_n3A_527 : i32 to vector<128x1xi32>
    %add3A_543 = arith.addi %rem3A_529, %add3A_542 : vector<128x1xi32>
    %select_n3A_544 = arith.select %and3A_541, %add3A_543, %rem3A_529 : vector<128x1xi1>, vector<128x1xi32>
    %add3A_545 = arith.addi %mul3A_522, %select_n3A_544 : vector<128x1xi32>
    %mul3A_546 = arith.constant 128 : i32
    %mul3A_547 = vector.broadcast %mul3A_546 : i32 to vector<128x16xi32>
    %mul3A_548 = arith.muli %mul3A_547, %iota3A_2 : vector<128x16xi32>
    %add3A_549 = vector.broadcast %add3A_545 : vector<128x1xi32> to vector<128x16xi32>
    %add3A_550 = arith.addi %add3A_549, %mul3A_548 : vector<128x16xi32>
    %swap3A_551 = arith.constant 0 : index
    %swap3A_552 = arith.constant 96 : index
    %swap3A_553 = vector.load %arg2[%swap3A_551, %swap3A_552] : memref<128x256xi32, #tpu.memory_space<vmem>>, vector<128x16xi32>
    tpu.vector_store %arg2[%swap3A_551, %swap3A_552], %add3A_550 {strides = array<i32>} : memref<128x256xi32, #tpu.memory_space<vmem>>, vector<128x16xi32>,
    %reduce_min3A_554 = arith.constant dense<0x7F800000> : vector<128xf32>
    %reduce_min3A_555 = vector.multi_reduction <minimumf>, %select_n3A_488, %reduce_min3A_554 [1] : vector<128x6272xf32> to vector<128xf32>
    %broadcast_in_dim3A_556 = vector.shape_cast %reduce_min3A_555 : vector<128xf32> to vector<128x1xf32>
    %le3A_557 = vector.broadcast %broadcast_in_dim3A_556 : vector<128x1xf32> to vector<128x6272xf32>
    %le3A_558 = arith.cmpf ole, %select_n3A_488, %le3A_557 : vector<128x6272xf32>
    %jit3A_559 = arith.constant 2147483647 : i32
    %broadcast_in_dim3A_560 = vector.broadcast %jit3A_559 : i32 to vector<128x6272xi32>
    %select_n3A_561 = arith.select %le3A_558, %iota3A, %broadcast_in_dim3A_560 : vector<128x6272xi1>, vector<128x6272xi32>
    %reduce_min3A_562 = arith.constant dense<2147483647> : vector<128xi32>
    %reduce_min3A_563 = vector.multi_reduction <minsi>, %select_n3A_561, %reduce_min3A_562 [1] : vector<128x6272xi32> to vector<128xi32>
    %broadcast_in_dim3A_564 = vector.shape_cast %reduce_min3A_563 : vector<128xi32> to vector<128x1xi32>
    %eq3A_565 = vector.broadcast %broadcast_in_dim3A_564 : vector<128x1xi32> to vector<128x6272xi32>
    %eq3A_566 = arith.cmpi eq, %iota3A, %eq3A_565 : vector<128x6272xi32>
    %jit3A_567 = arith.constant 0x7F800000 : f32
    %broadcast_in_dim3A_568 = vector.broadcast %jit3A_567 : f32 to vector<128x6272xf32>
    %select_n3A_569 = arith.select %eq3A_566, %broadcast_in_dim3A_568, %select_n3A_488 : vector<128x6272xi1>, vector<128x6272xf32>
    %jit3A_570 = arith.constant 128 : i32
    %div3A_571 = vector.broadcast %jit3A_570 : i32 to vector<128x1xi32>
    %div3A_572 = arith.divsi %broadcast_in_dim3A_564, %div3A_571 : vector<128x1xi32>
    %sign3A_573 = arith.constant 0 : i32
    %sign3A_574 = vector.broadcast %sign3A_573 : i32 to vector<128x1xi32>
    %sign3A_575 = arith.cmpi sgt, %broadcast_in_dim3A_564, %sign3A_574 : vector<128x1xi32>
    %sign3A_576 = arith.extui %sign3A_575 : vector<128x1xi1> to vector<128x1xi32>
    %sign3A_577 = arith.constant 0 : i32
    %sign3A_578 = vector.broadcast %sign3A_577 : i32 to vector<128x1xi32>
    %sign3A_579 = arith.cmpi slt, %broadcast_in_dim3A_564, %sign3A_578 : vector<128x1xi32>
    %sign3A_580 = arith.extui %sign3A_579 : vector<128x1xi1> to vector<128x1xi32>
    %sign3A_581 = arith.subi %sign3A_576, %sign3A_580 : vector<128x1xi32>
    %sign3A_582 = arith.constant 0 : i32
    %sign3A_583 = arith.cmpi sgt, %jit3A_570, %sign3A_582 : i32
    %sign3A_584 = arith.extui %sign3A_583 : i1 to i32
    %sign3A_585 = arith.constant 0 : i32
    %sign3A_586 = arith.cmpi slt, %jit3A_570, %sign3A_585 : i32
    %sign3A_587 = arith.extui %sign3A_586 : i1 to i32
    %sign3A_588 = arith.subi %sign3A_584, %sign3A_587 : i32
    %ne3A_589 = vector.broadcast %sign3A_588 : i32 to vector<128x1xi32>
    %ne3A_590 = arith.cmpi ne, %sign3A_581, %ne3A_589 : vector<128x1xi32>
    %rem3A_591 = vector.broadcast %jit3A_570 : i32 to vector<128x1xi32>
    %rem3A_592 = arith.remsi %broadcast_in_dim3A_564, %rem3A_591 : vector<128x1xi32>
    %ne3A_593 = arith.constant 0 : i32
    %ne3A_594 = vector.broadcast %ne3A_593 : i32 to vector<128x1xi32>
    %ne3A_595 = arith.cmpi ne, %rem3A_592, %ne3A_594 : vector<128x1xi32>
    %and3A_596 = arith.andi %ne3A_590, %ne3A_595 : vector<128x1xi1>
    %sub3A_597 = arith.constant 1 : i32
    %sub3A_598 = vector.broadcast %sub3A_597 : i32 to vector<128x1xi32>
    %sub3A_599 = arith.subi %div3A_572, %sub3A_598 : vector<128x1xi32>
    %select_n3A_600 = arith.select %and3A_596, %sub3A_599, %div3A_572 : vector<128x1xi1>, vector<128x1xi32>
    %mul3A_601 = arith.constant 2048 : i32
    %mul3A_602 = vector.broadcast %mul3A_601 : i32 to vector<128x1xi32>
    %mul3A_603 = arith.muli %select_n3A_600, %mul3A_602 : vector<128x1xi32>
    %jit3A_604 = arith.constant 128 : i32
    %eq3A_605 = arith.constant 0 : i32
    %eq3A_606 = arith.cmpi eq, %jit3A_604, %eq3A_605 : i32
    %jit3A_607 = arith.constant 1 : i32
    %select_n3A_608 = arith.select %eq3A_606, %jit3A_607, %jit3A_604 : i32
    %rem3A_609 = vector.broadcast %select_n3A_608 : i32 to vector<128x1xi32>
    %rem3A_610 = arith.remsi %broadcast_in_dim3A_564, %rem3A_609 : vector<128x1xi32>
    %ne3A_611 = arith.constant 0 : i32
    %ne3A_612 = vector.broadcast %ne3A_611 : i32 to vector<128x1xi32>
    %ne3A_613 = arith.cmpi ne, %rem3A_610, %ne3A_612 : vector<128x1xi32>
    %lt3A_614 = arith.constant 0 : i32
    %lt3A_615 = vector.broadcast %lt3A_614 : i32 to vector<128x1xi32>
    %lt3A_616 = arith.cmpi slt, %rem3A_610, %lt3A_615 : vector<128x1xi32>
    %lt3A_617 = arith.constant 0 : i32
    %lt3A_618 = arith.cmpi slt, %select_n3A_608, %lt3A_617 : i32
    %ne3A_619 = vector.broadcast %lt3A_618 : i1 to vector<128x1xi1>
    %ne3A_620 = vector.broadcast %ne3A_619 : vector<128x1xi1> to vector<128x1xi1>
    %ne3A_621 = arith.xori %lt3A_616, %ne3A_620 : vector<128x1xi1>
    %and3A_622 = arith.andi %ne3A_621, %ne3A_613 : vector<128x1xi1>
    %add3A_623 = vector.broadcast %select_n3A_608 : i32 to vector<128x1xi32>
    %add3A_624 = arith.addi %rem3A_610, %add3A_623 : vector<128x1xi32>
    %select_n3A_625 = arith.select %and3A_622, %add3A_624, %rem3A_610 : vector<128x1xi1>, vector<128x1xi32>
    %add3A_626 = arith.addi %mul3A_603, %select_n3A_625 : vector<128x1xi32>
    %mul3A_627 = arith.constant 128 : i32
    %mul3A_628 = vector.broadcast %mul3A_627 : i32 to vector<128x16xi32>
    %mul3A_629 = arith.muli %mul3A_628, %iota3A_2 : vector<128x16xi32>
    %add3A_630 = vector.broadcast %add3A_626 : vector<128x1xi32> to vector<128x16xi32>
    %add3A_631 = arith.addi %add3A_630, %mul3A_629 : vector<128x16xi32>
    %swap3A_632 = arith.constant 0 : index
    %swap3A_633 = arith.constant 112 : index
    %swap3A_634 = vector.load %arg2[%swap3A_632, %swap3A_633] : memref<128x256xi32, #tpu.memory_space<vmem>>, vector<128x16xi32>
    tpu.vector_store %arg2[%swap3A_632, %swap3A_633], %add3A_631 {strides = array<i32>} : memref<128x256xi32, #tpu.memory_space<vmem>>, vector<128x16xi32>,
    %reduce_min3A_635 = arith.constant dense<0x7F800000> : vector<128xf32>
    %reduce_min3A_636 = vector.multi_reduction <minimumf>, %select_n3A_569, %reduce_min3A_635 [1] : vector<128x6272xf32> to vector<128xf32>
    %broadcast_in_dim3A_637 = vector.shape_cast %reduce_min3A_636 : vector<128xf32> to vector<128x1xf32>
    %le3A_638 = vector.broadcast %broadcast_in_dim3A_637 : vector<128x1xf32> to vector<128x6272xf32>
    %le3A_639 = arith.cmpf ole, %select_n3A_569, %le3A_638 : vector<128x6272xf32>
    %jit3A_640 = arith.constant 2147483647 : i32
    %broadcast_in_dim3A_641 = vector.broadcast %jit3A_640 : i32 to vector<128x6272xi32>
    %select_n3A_642 = arith.select %le3A_639, %iota3A, %broadcast_in_dim3A_641 : vector<128x6272xi1>, vector<128x6272xi32>
    %reduce_min3A_643 = arith.constant dense<2147483647> : vector<128xi32>
    %reduce_min3A_644 = vector.multi_reduction <minsi>, %select_n3A_642, %reduce_min3A_643 [1] : vector<128x6272xi32> to vector<128xi32>
    %broadcast_in_dim3A_645 = vector.shape_cast %reduce_min3A_644 : vector<128xi32> to vector<128x1xi32>
    %eq3A_646 = vector.broadcast %broadcast_in_dim3A_645 : vector<128x1xi32> to vector<128x6272xi32>
    %eq3A_647 = arith.cmpi eq, %iota3A, %eq3A_646 : vector<128x6272xi32>
    %jit3A_648 = arith.constant 0x7F800000 : f32
    %broadcast_in_dim3A_649 = vector.broadcast %jit3A_648 : f32 to vector<128x6272xf32>
    %select_n3A_650 = arith.select %eq3A_647, %broadcast_in_dim3A_649, %select_n3A_569 : vector<128x6272xi1>, vector<128x6272xf32>
    %jit3A_651 = arith.constant 128 : i32
    %div3A_652 = vector.broadcast %jit3A_651 : i32 to vector<128x1xi32>
    %div3A_653 = arith.divsi %broadcast_in_dim3A_645, %div3A_652 : vector<128x1xi32>
    %sign3A_654 = arith.constant 0 : i32
    %sign3A_655 = vector.broadcast %sign3A_654 : i32 to vector<128x1xi32>
    %sign3A_656 = arith.cmpi sgt, %broadcast_in_dim3A_645, %sign3A_655 : vector<128x1xi32>
    %sign3A_657 = arith.extui %sign3A_656 : vector<128x1xi1> to vector<128x1xi32>
    %sign3A_658 = arith.constant 0 : i32
    %sign3A_659 = vector.broadcast %sign3A_658 : i32 to vector<128x1xi32>
    %sign3A_660 = arith.cmpi slt, %broadcast_in_dim3A_645, %sign3A_659 : vector<128x1xi32>
    %sign3A_661 = arith.extui %sign3A_660 : vector<128x1xi1> to vector<128x1xi32>
    %sign3A_662 = arith.subi %sign3A_657, %sign3A_661 : vector<128x1xi32>
    %sign3A_663 = arith.constant 0 : i32
    %sign3A_664 = arith.cmpi sgt, %jit3A_651, %sign3A_663 : i32
    %sign3A_665 = arith.extui %sign3A_664 : i1 to i32
    %sign3A_666 = arith.constant 0 : i32
    %sign3A_667 = arith.cmpi slt, %jit3A_651, %sign3A_666 : i32
    %sign3A_668 = arith.extui %sign3A_667 : i1 to i32
    %sign3A_669 = arith.subi %sign3A_665, %sign3A_668 : i32
    %ne3A_670 = vector.broadcast %sign3A_669 : i32 to vector<128x1xi32>
    %ne3A_671 = arith.cmpi ne, %sign3A_662, %ne3A_670 : vector<128x1xi32>
    %rem3A_672 = vector.broadcast %jit3A_651 : i32 to vector<128x1xi32>
    %rem3A_673 = arith.remsi %broadcast_in_dim3A_645, %rem3A_672 : vector<128x1xi32>
    %ne3A_674 = arith.constant 0 : i32
    %ne3A_675 = vector.broadcast %ne3A_674 : i32 to vector<128x1xi32>
    %ne3A_676 = arith.cmpi ne, %rem3A_673, %ne3A_675 : vector<128x1xi32>
    %and3A_677 = arith.andi %ne3A_671, %ne3A_676 : vector<128x1xi1>
    %sub3A_678 = arith.constant 1 : i32
    %sub3A_679 = vector.broadcast %sub3A_678 : i32 to vector<128x1xi32>
    %sub3A_680 = arith.subi %div3A_653, %sub3A_679 : vector<128x1xi32>
    %select_n3A_681 = arith.select %and3A_677, %sub3A_680, %div3A_653 : vector<128x1xi1>, vector<128x1xi32>
    %mul3A_682 = arith.constant 2048 : i32
    %mul3A_683 = vector.broadcast %mul3A_682 : i32 to vector<128x1xi32>
    %mul3A_684 = arith.muli %select_n3A_681, %mul3A_683 : vector<128x1xi32>
    %jit3A_685 = arith.constant 128 : i32
    %eq3A_686 = arith.constant 0 : i32
    %eq3A_687 = arith.cmpi eq, %jit3A_685, %eq3A_686 : i32
    %jit3A_688 = arith.constant 1 : i32
    %select_n3A_689 = arith.select %eq3A_687, %jit3A_688, %jit3A_685 : i32
    %rem3A_690 = vector.broadcast %select_n3A_689 : i32 to vector<128x1xi32>
    %rem3A_691 = arith.remsi %broadcast_in_dim3A_645, %rem3A_690 : vector<128x1xi32>
    %ne3A_692 = arith.constant 0 : i32
    %ne3A_693 = vector.broadcast %ne3A_692 : i32 to vector<128x1xi32>
    %ne3A_694 = arith.cmpi ne, %rem3A_691, %ne3A_693 : vector<128x1xi32>
    %lt3A_695 = arith.constant 0 : i32
    %lt3A_696 = vector.broadcast %lt3A_695 : i32 to vector<128x1xi32>
    %lt3A_697 = arith.cmpi slt, %rem3A_691, %lt3A_696 : vector<128x1xi32>
    %lt3A_698 = arith.constant 0 : i32
    %lt3A_699 = arith.cmpi slt, %select_n3A_689, %lt3A_698 : i32
    %ne3A_700 = vector.broadcast %lt3A_699 : i1 to vector<128x1xi1>
    %ne3A_701 = vector.broadcast %ne3A_700 : vector<128x1xi1> to vector<128x1xi1>
    %ne3A_702 = arith.xori %lt3A_697, %ne3A_701 : vector<128x1xi1>
    %and3A_703 = arith.andi %ne3A_702, %ne3A_694 : vector<128x1xi1>
    %add3A_704 = vector.broadcast %select_n3A_689 : i32 to vector<128x1xi32>
    %add3A_705 = arith.addi %rem3A_691, %add3A_704 : vector<128x1xi32>
    %select_n3A_706 = arith.select %and3A_703, %add3A_705, %rem3A_691 : vector<128x1xi1>, vector<128x1xi32>
    %add3A_707 = arith.addi %mul3A_684, %select_n3A_706 : vector<128x1xi32>
    %mul3A_708 = arith.constant 128 : i32
    %mul3A_709 = vector.broadcast %mul3A_708 : i32 to vector<128x16xi32>
    %mul3A_710 = arith.muli %mul3A_709, %iota3A_2 : vector<128x16xi32>
    %add3A_711 = vector.broadcast %add3A_707 : vector<128x1xi32> to vector<128x16xi32>
    %add3A_712 = arith.addi %add3A_711, %mul3A_710 : vector<128x16xi32>
    %swap3A_713 = arith.constant 0 : index
    %swap3A_714 = arith.constant 128 : index
    %swap3A_715 = vector.load %arg2[%swap3A_713, %swap3A_714] : memref<128x256xi32, #tpu.memory_space<vmem>>, vector<128x16xi32>
    tpu.vector_store %arg2[%swap3A_713, %swap3A_714], %add3A_712 {strides = array<i32>} : memref<128x256xi32, #tpu.memory_space<vmem>>, vector<128x16xi32>,
    %reduce_min3A_716 = arith.constant dense<0x7F800000> : vector<128xf32>
    %reduce_min3A_717 = vector.multi_reduction <minimumf>, %select_n3A_650, %reduce_min3A_716 [1] : vector<128x6272xf32> to vector<128xf32>
    %broadcast_in_dim3A_718 = vector.shape_cast %reduce_min3A_717 : vector<128xf32> to vector<128x1xf32>
    %le3A_719 = vector.broadcast %broadcast_in_dim3A_718 : vector<128x1xf32> to vector<128x6272xf32>
    %le3A_720 = arith.cmpf ole, %select_n3A_650, %le3A_719 : vector<128x6272xf32>
    %jit3A_721 = arith.constant 2147483647 : i32
    %broadcast_in_dim3A_722 = vector.broadcast %jit3A_721 : i32 to vector<128x6272xi32>
    %select_n3A_723 = arith.select %le3A_720, %iota3A, %broadcast_in_dim3A_722 : vector<128x6272xi1>, vector<128x6272xi32>
    %reduce_min3A_724 = arith.constant dense<2147483647> : vector<128xi32>
    %reduce_min3A_725 = vector.multi_reduction <minsi>, %select_n3A_723, %reduce_min3A_724 [1] : vector<128x6272xi32> to vector<128xi32>
    %broadcast_in_dim3A_726 = vector.shape_cast %reduce_min3A_725 : vector<128xi32> to vector<128x1xi32>
    %eq3A_727 = vector.broadcast %broadcast_in_dim3A_726 : vector<128x1xi32> to vector<128x6272xi32>
    %eq3A_728 = arith.cmpi eq, %iota3A, %eq3A_727 : vector<128x6272xi32>
    %jit3A_729 = arith.constant 0x7F800000 : f32
    %broadcast_in_dim3A_730 = vector.broadcast %jit3A_729 : f32 to vector<128x6272xf32>
    %select_n3A_731 = arith.select %eq3A_728, %broadcast_in_dim3A_730, %select_n3A_650 : vector<128x6272xi1>, vector<128x6272xf32>
    %jit3A_732 = arith.constant 128 : i32
    %div3A_733 = vector.broadcast %jit3A_732 : i32 to vector<128x1xi32>
    %div3A_734 = arith.divsi %broadcast_in_dim3A_726, %div3A_733 : vector<128x1xi32>
    %sign3A_735 = arith.constant 0 : i32
    %sign3A_736 = vector.broadcast %sign3A_735 : i32 to vector<128x1xi32>
    %sign3A_737 = arith.cmpi sgt, %broadcast_in_dim3A_726, %sign3A_736 : vector<128x1xi32>
    %sign3A_738 = arith.extui %sign3A_737 : vector<128x1xi1> to vector<128x1xi32>
    %sign3A_739 = arith.constant 0 : i32
    %sign3A_740 = vector.broadcast %sign3A_739 : i32 to vector<128x1xi32>
    %sign3A_741 = arith.cmpi slt, %broadcast_in_dim3A_726, %sign3A_740 : vector<128x1xi32>
    %sign3A_742 = arith.extui %sign3A_741 : vector<128x1xi1> to vector<128x1xi32>
    %sign3A_743 = arith.subi %sign3A_738, %sign3A_742 : vector<128x1xi32>
    %sign3A_744 = arith.constant 0 : i32
    %sign3A_745 = arith.cmpi sgt, %jit3A_732, %sign3A_744 : i32
    %sign3A_746 = arith.extui %sign3A_745 : i1 to i32
    %sign3A_747 = arith.constant 0 : i32
    %sign3A_748 = arith.cmpi slt, %jit3A_732, %sign3A_747 : i32
    %sign3A_749 = arith.extui %sign3A_748 : i1 to i32
    %sign3A_750 = arith.subi %sign3A_746, %sign3A_749 : i32
    %ne3A_751 = vector.broadcast %sign3A_750 : i32 to vector<128x1xi32>
    %ne3A_752 = arith.cmpi ne, %sign3A_743, %ne3A_751 : vector<128x1xi32>
    %rem3A_753 = vector.broadcast %jit3A_732 : i32 to vector<128x1xi32>
    %rem3A_754 = arith.remsi %broadcast_in_dim3A_726, %rem3A_753 : vector<128x1xi32>
    %ne3A_755 = arith.constant 0 : i32
    %ne3A_756 = vector.broadcast %ne3A_755 : i32 to vector<128x1xi32>
    %ne3A_757 = arith.cmpi ne, %rem3A_754, %ne3A_756 : vector<128x1xi32>
    %and3A_758 = arith.andi %ne3A_752, %ne3A_757 : vector<128x1xi1>
    %sub3A_759 = arith.constant 1 : i32
    %sub3A_760 = vector.broadcast %sub3A_759 : i32 to vector<128x1xi32>
    %sub3A_761 = arith.subi %div3A_734, %sub3A_760 : vector<128x1xi32>
    %select_n3A_762 = arith.select %and3A_758, %sub3A_761, %div3A_734 : vector<128x1xi1>, vector<128x1xi32>
    %mul3A_763 = arith.constant 2048 : i32
    %mul3A_764 = vector.broadcast %mul3A_763 : i32 to vector<128x1xi32>
    %mul3A_765 = arith.muli %select_n3A_762, %mul3A_764 : vector<128x1xi32>
    %jit3A_766 = arith.constant 128 : i32
    %eq3A_767 = arith.constant 0 : i32
    %eq3A_768 = arith.cmpi eq, %jit3A_766, %eq3A_767 : i32
    %jit3A_769 = arith.constant 1 : i32
    %select_n3A_770 = arith.select %eq3A_768, %jit3A_769, %jit3A_766 : i32
    %rem3A_771 = vector.broadcast %select_n3A_770 : i32 to vector<128x1xi32>
    %rem3A_772 = arith.remsi %broadcast_in_dim3A_726, %rem3A_771 : vector<128x1xi32>
    %ne3A_773 = arith.constant 0 : i32
    %ne3A_774 = vector.broadcast %ne3A_773 : i32 to vector<128x1xi32>
    %ne3A_775 = arith.cmpi ne, %rem3A_772, %ne3A_774 : vector<128x1xi32>
    %lt3A_776 = arith.constant 0 : i32
    %lt3A_777 = vector.broadcast %lt3A_776 : i32 to vector<128x1xi32>
    %lt3A_778 = arith.cmpi slt, %rem3A_772, %lt3A_777 : vector<128x1xi32>
    %lt3A_779 = arith.constant 0 : i32
    %lt3A_780 = arith.cmpi slt, %select_n3A_770, %lt3A_779 : i32
    %ne3A_781 = vector.broadcast %lt3A_780 : i1 to vector<128x1xi1>
    %ne3A_782 = vector.broadcast %ne3A_781 : vector<128x1xi1> to vector<128x1xi1>
    %ne3A_783 = arith.xori %lt3A_778, %ne3A_782 : vector<128x1xi1>
    %and3A_784 = arith.andi %ne3A_783, %ne3A_775 : vector<128x1xi1>
    %add3A_785 = vector.broadcast %select_n3A_770 : i32 to vector<128x1xi32>
    %add3A_786 = arith.addi %rem3A_772, %add3A_785 : vector<128x1xi32>
    %select_n3A_787 = arith.select %and3A_784, %add3A_786, %rem3A_772 : vector<128x1xi1>, vector<128x1xi32>
    %add3A_788 = arith.addi %mul3A_765, %select_n3A_787 : vector<128x1xi32>
    %mul3A_789 = arith.constant 128 : i32
    %mul3A_790 = vector.broadcast %mul3A_789 : i32 to vector<128x16xi32>
    %mul3A_791 = arith.muli %mul3A_790, %iota3A_2 : vector<128x16xi32>
    %add3A_792 = vector.broadcast %add3A_788 : vector<128x1xi32> to vector<128x16xi32>
    %add3A_793 = arith.addi %add3A_792, %mul3A_791 : vector<128x16xi32>
    %swap3A_794 = arith.constant 0 : index
    %swap3A_795 = arith.constant 144 : index
    %swap3A_796 = vector.load %arg2[%swap3A_794, %swap3A_795] : memref<128x256xi32, #tpu.memory_space<vmem>>, vector<128x16xi32>
    tpu.vector_store %arg2[%swap3A_794, %swap3A_795], %add3A_793 {strides = array<i32>} : memref<128x256xi32, #tpu.memory_space<vmem>>, vector<128x16xi32>,
    %reduce_min3A_797 = arith.constant dense<0x7F800000> : vector<128xf32>
    %reduce_min3A_798 = vector.multi_reduction <minimumf>, %select_n3A_731, %reduce_min3A_797 [1] : vector<128x6272xf32> to vector<128xf32>
    %broadcast_in_dim3A_799 = vector.shape_cast %reduce_min3A_798 : vector<128xf32> to vector<128x1xf32>
    %le3A_800 = vector.broadcast %broadcast_in_dim3A_799 : vector<128x1xf32> to vector<128x6272xf32>
    %le3A_801 = arith.cmpf ole, %select_n3A_731, %le3A_800 : vector<128x6272xf32>
    %jit3A_802 = arith.constant 2147483647 : i32
    %broadcast_in_dim3A_803 = vector.broadcast %jit3A_802 : i32 to vector<128x6272xi32>
    %select_n3A_804 = arith.select %le3A_801, %iota3A, %broadcast_in_dim3A_803 : vector<128x6272xi1>, vector<128x6272xi32>
    %reduce_min3A_805 = arith.constant dense<2147483647> : vector<128xi32>
    %reduce_min3A_806 = vector.multi_reduction <minsi>, %select_n3A_804, %reduce_min3A_805 [1] : vector<128x6272xi32> to vector<128xi32>
    %broadcast_in_dim3A_807 = vector.shape_cast %reduce_min3A_806 : vector<128xi32> to vector<128x1xi32>
    %eq3A_808 = vector.broadcast %broadcast_in_dim3A_807 : vector<128x1xi32> to vector<128x6272xi32>
    %eq3A_809 = arith.cmpi eq, %iota3A, %eq3A_808 : vector<128x6272xi32>
    %jit3A_810 = arith.constant 0x7F800000 : f32
    %broadcast_in_dim3A_811 = vector.broadcast %jit3A_810 : f32 to vector<128x6272xf32>
    %select_n3A_812 = arith.select %eq3A_809, %broadcast_in_dim3A_811, %select_n3A_731 : vector<128x6272xi1>, vector<128x6272xf32>
    %jit3A_813 = arith.constant 128 : i32
    %div3A_814 = vector.broadcast %jit3A_813 : i32 to vector<128x1xi32>
    %div3A_815 = arith.divsi %broadcast_in_dim3A_807, %div3A_814 : vector<128x1xi32>
    %sign3A_816 = arith.constant 0 : i32
    %sign3A_817 = vector.broadcast %sign3A_816 : i32 to vector<128x1xi32>
    %sign3A_818 = arith.cmpi sgt, %broadcast_in_dim3A_807, %sign3A_817 : vector<128x1xi32>
    %sign3A_819 = arith.extui %sign3A_818 : vector<128x1xi1> to vector<128x1xi32>
    %sign3A_820 = arith.constant 0 : i32
    %sign3A_821 = vector.broadcast %sign3A_820 : i32 to vector<128x1xi32>
    %sign3A_822 = arith.cmpi slt, %broadcast_in_dim3A_807, %sign3A_821 : vector<128x1xi32>
    %sign3A_823 = arith.extui %sign3A_822 : vector<128x1xi1> to vector<128x1xi32>
    %sign3A_824 = arith.subi %sign3A_819, %sign3A_823 : vector<128x1xi32>
    %sign3A_825 = arith.constant 0 : i32
    %sign3A_826 = arith.cmpi sgt, %jit3A_813, %sign3A_825 : i32
    %sign3A_827 = arith.extui %sign3A_826 : i1 to i32
    %sign3A_828 = arith.constant 0 : i32
    %sign3A_829 = arith.cmpi slt, %jit3A_813, %sign3A_828 : i32
    %sign3A_830 = arith.extui %sign3A_829 : i1 to i32
    %sign3A_831 = arith.subi %sign3A_827, %sign3A_830 : i32
    %ne3A_832 = vector.broadcast %sign3A_831 : i32 to vector<128x1xi32>
    %ne3A_833 = arith.cmpi ne, %sign3A_824, %ne3A_832 : vector<128x1xi32>
    %rem3A_834 = vector.broadcast %jit3A_813 : i32 to vector<128x1xi32>
    %rem3A_835 = arith.remsi %broadcast_in_dim3A_807, %rem3A_834 : vector<128x1xi32>
    %ne3A_836 = arith.constant 0 : i32
    %ne3A_837 = vector.broadcast %ne3A_836 : i32 to vector<128x1xi32>
    %ne3A_838 = arith.cmpi ne, %rem3A_835, %ne3A_837 : vector<128x1xi32>
    %and3A_839 = arith.andi %ne3A_833, %ne3A_838 : vector<128x1xi1>
    %sub3A_840 = arith.constant 1 : i32
    %sub3A_841 = vector.broadcast %sub3A_840 : i32 to vector<128x1xi32>
    %sub3A_842 = arith.subi %div3A_815, %sub3A_841 : vector<128x1xi32>
    %select_n3A_843 = arith.select %and3A_839, %sub3A_842, %div3A_815 : vector<128x1xi1>, vector<128x1xi32>
    %mul3A_844 = arith.constant 2048 : i32
    %mul3A_845 = vector.broadcast %mul3A_844 : i32 to vector<128x1xi32>
    %mul3A_846 = arith.muli %select_n3A_843, %mul3A_845 : vector<128x1xi32>
    %jit3A_847 = arith.constant 128 : i32
    %eq3A_848 = arith.constant 0 : i32
    %eq3A_849 = arith.cmpi eq, %jit3A_847, %eq3A_848 : i32
    %jit3A_850 = arith.constant 1 : i32
    %select_n3A_851 = arith.select %eq3A_849, %jit3A_850, %jit3A_847 : i32
    %rem3A_852 = vector.broadcast %select_n3A_851 : i32 to vector<128x1xi32>
    %rem3A_853 = arith.remsi %broadcast_in_dim3A_807, %rem3A_852 : vector<128x1xi32>
    %ne3A_854 = arith.constant 0 : i32
    %ne3A_855 = vector.broadcast %ne3A_854 : i32 to vector<128x1xi32>
    %ne3A_856 = arith.cmpi ne, %rem3A_853, %ne3A_855 : vector<128x1xi32>
    %lt3A_857 = arith.constant 0 : i32
    %lt3A_858 = vector.broadcast %lt3A_857 : i32 to vector<128x1xi32>
    %lt3A_859 = arith.cmpi slt, %rem3A_853, %lt3A_858 : vector<128x1xi32>
    %lt3A_860 = arith.constant 0 : i32
    %lt3A_861 = arith.cmpi slt, %select_n3A_851, %lt3A_860 : i32
    %ne3A_862 = vector.broadcast %lt3A_861 : i1 to vector<128x1xi1>
    %ne3A_863 = vector.broadcast %ne3A_862 : vector<128x1xi1> to vector<128x1xi1>
    %ne3A_864 = arith.xori %lt3A_859, %ne3A_863 : vector<128x1xi1>
    %and3A_865 = arith.andi %ne3A_864, %ne3A_856 : vector<128x1xi1>
    %add3A_866 = vector.broadcast %select_n3A_851 : i32 to vector<128x1xi32>
    %add3A_867 = arith.addi %rem3A_853, %add3A_866 : vector<128x1xi32>
    %select_n3A_868 = arith.select %and3A_865, %add3A_867, %rem3A_853 : vector<128x1xi1>, vector<128x1xi32>
    %add3A_869 = arith.addi %mul3A_846, %select_n3A_868 : vector<128x1xi32>
    %mul3A_870 = arith.constant 128 : i32
    %mul3A_871 = vector.broadcast %mul3A_870 : i32 to vector<128x16xi32>
    %mul3A_872 = arith.muli %mul3A_871, %iota3A_2 : vector<128x16xi32>
    %add3A_873 = vector.broadcast %add3A_869 : vector<128x1xi32> to vector<128x16xi32>
    %add3A_874 = arith.addi %add3A_873, %mul3A_872 : vector<128x16xi32>
    %swap3A_875 = arith.constant 0 : index
    %swap3A_876 = arith.constant 160 : index
    %swap3A_877 = vector.load %arg2[%swap3A_875, %swap3A_876] : memref<128x256xi32, #tpu.memory_space<vmem>>, vector<128x16xi32>
    tpu.vector_store %arg2[%swap3A_875, %swap3A_876], %add3A_874 {strides = array<i32>} : memref<128x256xi32, #tpu.memory_space<vmem>>, vector<128x16xi32>,
    %reduce_min3A_878 = arith.constant dense<0x7F800000> : vector<128xf32>
    %reduce_min3A_879 = vector.multi_reduction <minimumf>, %select_n3A_812, %reduce_min3A_878 [1] : vector<128x6272xf32> to vector<128xf32>
    %broadcast_in_dim3A_880 = vector.shape_cast %reduce_min3A_879 : vector<128xf32> to vector<128x1xf32>
    %le3A_881 = vector.broadcast %broadcast_in_dim3A_880 : vector<128x1xf32> to vector<128x6272xf32>
    %le3A_882 = arith.cmpf ole, %select_n3A_812, %le3A_881 : vector<128x6272xf32>
    %jit3A_883 = arith.constant 2147483647 : i32
    %broadcast_in_dim3A_884 = vector.broadcast %jit3A_883 : i32 to vector<128x6272xi32>
    %select_n3A_885 = arith.select %le3A_882, %iota3A, %broadcast_in_dim3A_884 : vector<128x6272xi1>, vector<128x6272xi32>
    %reduce_min3A_886 = arith.constant dense<2147483647> : vector<128xi32>
    %reduce_min3A_887 = vector.multi_reduction <minsi>, %select_n3A_885, %reduce_min3A_886 [1] : vector<128x6272xi32> to vector<128xi32>
    %broadcast_in_dim3A_888 = vector.shape_cast %reduce_min3A_887 : vector<128xi32> to vector<128x1xi32>
    %eq3A_889 = vector.broadcast %broadcast_in_dim3A_888 : vector<128x1xi32> to vector<128x6272xi32>
    %eq3A_890 = arith.cmpi eq, %iota3A, %eq3A_889 : vector<128x6272xi32>
    %jit3A_891 = arith.constant 0x7F800000 : f32
    %broadcast_in_dim3A_892 = vector.broadcast %jit3A_891 : f32 to vector<128x6272xf32>
    %select_n3A_893 = arith.select %eq3A_890, %broadcast_in_dim3A_892, %select_n3A_812 : vector<128x6272xi1>, vector<128x6272xf32>
    %jit3A_894 = arith.constant 128 : i32
    %div3A_895 = vector.broadcast %jit3A_894 : i32 to vector<128x1xi32>
    %div3A_896 = arith.divsi %broadcast_in_dim3A_888, %div3A_895 : vector<128x1xi32>
    %sign3A_897 = arith.constant 0 : i32
    %sign3A_898 = vector.broadcast %sign3A_897 : i32 to vector<128x1xi32>
    %sign3A_899 = arith.cmpi sgt, %broadcast_in_dim3A_888, %sign3A_898 : vector<128x1xi32>
    %sign3A_900 = arith.extui %sign3A_899 : vector<128x1xi1> to vector<128x1xi32>
    %sign3A_901 = arith.constant 0 : i32
    %sign3A_902 = vector.broadcast %sign3A_901 : i32 to vector<128x1xi32>
    %sign3A_903 = arith.cmpi slt, %broadcast_in_dim3A_888, %sign3A_902 : vector<128x1xi32>
    %sign3A_904 = arith.extui %sign3A_903 : vector<128x1xi1> to vector<128x1xi32>
    %sign3A_905 = arith.subi %sign3A_900, %sign3A_904 : vector<128x1xi32>
    %sign3A_906 = arith.constant 0 : i32
    %sign3A_907 = arith.cmpi sgt, %jit3A_894, %sign3A_906 : i32
    %sign3A_908 = arith.extui %sign3A_907 : i1 to i32
    %sign3A_909 = arith.constant 0 : i32
    %sign3A_910 = arith.cmpi slt, %jit3A_894, %sign3A_909 : i32
    %sign3A_911 = arith.extui %sign3A_910 : i1 to i32
    %sign3A_912 = arith.subi %sign3A_908, %sign3A_911 : i32
    %ne3A_913 = vector.broadcast %sign3A_912 : i32 to vector<128x1xi32>
    %ne3A_914 = arith.cmpi ne, %sign3A_905, %ne3A_913 : vector<128x1xi32>
    %rem3A_915 = vector.broadcast %jit3A_894 : i32 to vector<128x1xi32>
    %rem3A_916 = arith.remsi %broadcast_in_dim3A_888, %rem3A_915 : vector<128x1xi32>
    %ne3A_917 = arith.constant 0 : i32
    %ne3A_918 = vector.broadcast %ne3A_917 : i32 to vector<128x1xi32>
    %ne3A_919 = arith.cmpi ne, %rem3A_916, %ne3A_918 : vector<128x1xi32>
    %and3A_920 = arith.andi %ne3A_914, %ne3A_919 : vector<128x1xi1>
    %sub3A_921 = arith.constant 1 : i32
    %sub3A_922 = vector.broadcast %sub3A_921 : i32 to vector<128x1xi32>
    %sub3A_923 = arith.subi %div3A_896, %sub3A_922 : vector<128x1xi32>
    %select_n3A_924 = arith.select %and3A_920, %sub3A_923, %div3A_896 : vector<128x1xi1>, vector<128x1xi32>
    %mul3A_925 = arith.constant 2048 : i32
    %mul3A_926 = vector.broadcast %mul3A_925 : i32 to vector<128x1xi32>
    %mul3A_927 = arith.muli %select_n3A_924, %mul3A_926 : vector<128x1xi32>
    %jit3A_928 = arith.constant 128 : i32
    %eq3A_929 = arith.constant 0 : i32
    %eq3A_930 = arith.cmpi eq, %jit3A_928, %eq3A_929 : i32
    %jit3A_931 = arith.constant 1 : i32
    %select_n3A_932 = arith.select %eq3A_930, %jit3A_931, %jit3A_928 : i32
    %rem3A_933 = vector.broadcast %select_n3A_932 : i32 to vector<128x1xi32>
    %rem3A_934 = arith.remsi %broadcast_in_dim3A_888, %rem3A_933 : vector<128x1xi32>
    %ne3A_935 = arith.constant 0 : i32
    %ne3A_936 = vector.broadcast %ne3A_935 : i32 to vector<128x1xi32>
    %ne3A_937 = arith.cmpi ne, %rem3A_934, %ne3A_936 : vector<128x1xi32>
    %lt3A_938 = arith.constant 0 : i32
    %lt3A_939 = vector.broadcast %lt3A_938 : i32 to vector<128x1xi32>
    %lt3A_940 = arith.cmpi slt, %rem3A_934, %lt3A_939 : vector<128x1xi32>
    %lt3A_941 = arith.constant 0 : i32
    %lt3A_942 = arith.cmpi slt, %select_n3A_932, %lt3A_941 : i32
    %ne3A_943 = vector.broadcast %lt3A_942 : i1 to vector<128x1xi1>
    %ne3A_944 = vector.broadcast %ne3A_943 : vector<128x1xi1> to vector<128x1xi1>
    %ne3A_945 = arith.xori %lt3A_940, %ne3A_944 : vector<128x1xi1>
    %and3A_946 = arith.andi %ne3A_945, %ne3A_937 : vector<128x1xi1>
    %add3A_947 = vector.broadcast %select_n3A_932 : i32 to vector<128x1xi32>
    %add3A_948 = arith.addi %rem3A_934, %add3A_947 : vector<128x1xi32>
    %select_n3A_949 = arith.select %and3A_946, %add3A_948, %rem3A_934 : vector<128x1xi1>, vector<128x1xi32>
    %add3A_950 = arith.addi %mul3A_927, %select_n3A_949 : vector<128x1xi32>
    %mul3A_951 = arith.constant 128 : i32
    %mul3A_952 = vector.broadcast %mul3A_951 : i32 to vector<128x16xi32>
    %mul3A_953 = arith.muli %mul3A_952, %iota3A_2 : vector<128x16xi32>
    %add3A_954 = vector.broadcast %add3A_950 : vector<128x1xi32> to vector<128x16xi32>
    %add3A_955 = arith.addi %add3A_954, %mul3A_953 : vector<128x16xi32>
    %swap3A_956 = arith.constant 0 : index
    %swap3A_957 = arith.constant 176 : index
    %swap3A_958 = vector.load %arg2[%swap3A_956, %swap3A_957] : memref<128x256xi32, #tpu.memory_space<vmem>>, vector<128x16xi32>
    tpu.vector_store %arg2[%swap3A_956, %swap3A_957], %add3A_955 {strides = array<i32>} : memref<128x256xi32, #tpu.memory_space<vmem>>, vector<128x16xi32>,
    %reduce_min3A_959 = arith.constant dense<0x7F800000> : vector<128xf32>
    %reduce_min3A_960 = vector.multi_reduction <minimumf>, %select_n3A_893, %reduce_min3A_959 [1] : vector<128x6272xf32> to vector<128xf32>
    %broadcast_in_dim3A_961 = vector.shape_cast %reduce_min3A_960 : vector<128xf32> to vector<128x1xf32>
    %le3A_962 = vector.broadcast %broadcast_in_dim3A_961 : vector<128x1xf32> to vector<128x6272xf32>
    %le3A_963 = arith.cmpf ole, %select_n3A_893, %le3A_962 : vector<128x6272xf32>
    %jit3A_964 = arith.constant 2147483647 : i32
    %broadcast_in_dim3A_965 = vector.broadcast %jit3A_964 : i32 to vector<128x6272xi32>
    %select_n3A_966 = arith.select %le3A_963, %iota3A, %broadcast_in_dim3A_965 : vector<128x6272xi1>, vector<128x6272xi32>
    %reduce_min3A_967 = arith.constant dense<2147483647> : vector<128xi32>
    %reduce_min3A_968 = vector.multi_reduction <minsi>, %select_n3A_966, %reduce_min3A_967 [1] : vector<128x6272xi32> to vector<128xi32>
    %broadcast_in_dim3A_969 = vector.shape_cast %reduce_min3A_968 : vector<128xi32> to vector<128x1xi32>
    %eq3A_970 = vector.broadcast %broadcast_in_dim3A_969 : vector<128x1xi32> to vector<128x6272xi32>
    %eq3A_971 = arith.cmpi eq, %iota3A, %eq3A_970 : vector<128x6272xi32>
    %jit3A_972 = arith.constant 0x7F800000 : f32
    %broadcast_in_dim3A_973 = vector.broadcast %jit3A_972 : f32 to vector<128x6272xf32>
    %select_n3A_974 = arith.select %eq3A_971, %broadcast_in_dim3A_973, %select_n3A_893 : vector<128x6272xi1>, vector<128x6272xf32>
    %jit3A_975 = arith.constant 128 : i32
    %div3A_976 = vector.broadcast %jit3A_975 : i32 to vector<128x1xi32>
    %div3A_977 = arith.divsi %broadcast_in_dim3A_969, %div3A_976 : vector<128x1xi32>
    %sign3A_978 = arith.constant 0 : i32
    %sign3A_979 = vector.broadcast %sign3A_978 : i32 to vector<128x1xi32>
    %sign3A_980 = arith.cmpi sgt, %broadcast_in_dim3A_969, %sign3A_979 : vector<128x1xi32>
    %sign3A_981 = arith.extui %sign3A_980 : vector<128x1xi1> to vector<128x1xi32>
    %sign3A_982 = arith.constant 0 : i32
    %sign3A_983 = vector.broadcast %sign3A_982 : i32 to vector<128x1xi32>
    %sign3A_984 = arith.cmpi slt, %broadcast_in_dim3A_969, %sign3A_983 : vector<128x1xi32>
    %sign3A_985 = arith.extui %sign3A_984 : vector<128x1xi1> to vector<128x1xi32>
    %sign3A_986 = arith.subi %sign3A_981, %sign3A_985 : vector<128x1xi32>
    %sign3A_987 = arith.constant 0 : i32
    %sign3A_988 = arith.cmpi sgt, %jit3A_975, %sign3A_987 : i32
    %sign3A_989 = arith.extui %sign3A_988 : i1 to i32
    %sign3A_990 = arith.constant 0 : i32
    %sign3A_991 = arith.cmpi slt, %jit3A_975, %sign3A_990 : i32
    %sign3A_992 = arith.extui %sign3A_991 : i1 to i32
    %sign3A_993 = arith.subi %sign3A_989, %sign3A_992 : i32
    %ne3A_994 = vector.broadcast %sign3A_993 : i32 to vector<128x1xi32>
    %ne3A_995 = arith.cmpi ne, %sign3A_986, %ne3A_994 : vector<128x1xi32>
    %rem3A_996 = vector.broadcast %jit3A_975 : i32 to vector<128x1xi32>
    %rem3A_997 = arith.remsi %broadcast_in_dim3A_969, %rem3A_996 : vector<128x1xi32>
    %ne3A_998 = arith.constant 0 : i32
    %ne3A_999 = vector.broadcast %ne3A_998 : i32 to vector<128x1xi32>
    %ne3A_1000 = arith.cmpi ne, %rem3A_997, %ne3A_999 : vector<128x1xi32>
    %and3A_1001 = arith.andi %ne3A_995, %ne3A_1000 : vector<128x1xi1>
    %sub3A_1002 = arith.constant 1 : i32
    %sub3A_1003 = vector.broadcast %sub3A_1002 : i32 to vector<128x1xi32>
    %sub3A_1004 = arith.subi %div3A_977, %sub3A_1003 : vector<128x1xi32>
    %select_n3A_1005 = arith.select %and3A_1001, %sub3A_1004, %div3A_977 : vector<128x1xi1>, vector<128x1xi32>
    %mul3A_1006 = arith.constant 2048 : i32
    %mul3A_1007 = vector.broadcast %mul3A_1006 : i32 to vector<128x1xi32>
    %mul3A_1008 = arith.muli %select_n3A_1005, %mul3A_1007 : vector<128x1xi32>
    %jit3A_1009 = arith.constant 128 : i32
    %eq3A_1010 = arith.constant 0 : i32
    %eq3A_1011 = arith.cmpi eq, %jit3A_1009, %eq3A_1010 : i32
    %jit3A_1012 = arith.constant 1 : i32
    %select_n3A_1013 = arith.select %eq3A_1011, %jit3A_1012, %jit3A_1009 : i32
    %rem3A_1014 = vector.broadcast %select_n3A_1013 : i32 to vector<128x1xi32>
    %rem3A_1015 = arith.remsi %broadcast_in_dim3A_969, %rem3A_1014 : vector<128x1xi32>
    %ne3A_1016 = arith.constant 0 : i32
    %ne3A_1017 = vector.broadcast %ne3A_1016 : i32 to vector<128x1xi32>
    %ne3A_1018 = arith.cmpi ne, %rem3A_1015, %ne3A_1017 : vector<128x1xi32>
    %lt3A_1019 = arith.constant 0 : i32
    %lt3A_1020 = vector.broadcast %lt3A_1019 : i32 to vector<128x1xi32>
    %lt3A_1021 = arith.cmpi slt, %rem3A_1015, %lt3A_1020 : vector<128x1xi32>
    %lt3A_1022 = arith.constant 0 : i32
    %lt3A_1023 = arith.cmpi slt, %select_n3A_1013, %lt3A_1022 : i32
    %ne3A_1024 = vector.broadcast %lt3A_1023 : i1 to vector<128x1xi1>
    %ne3A_1025 = vector.broadcast %ne3A_1024 : vector<128x1xi1> to vector<128x1xi1>
    %ne3A_1026 = arith.xori %lt3A_1021, %ne3A_1025 : vector<128x1xi1>
    %and3A_1027 = arith.andi %ne3A_1026, %ne3A_1018 : vector<128x1xi1>
    %add3A_1028 = vector.broadcast %select_n3A_1013 : i32 to vector<128x1xi32>
    %add3A_1029 = arith.addi %rem3A_1015, %add3A_1028 : vector<128x1xi32>
    %select_n3A_1030 = arith.select %and3A_1027, %add3A_1029, %rem3A_1015 : vector<128x1xi1>, vector<128x1xi32>
    %add3A_1031 = arith.addi %mul3A_1008, %select_n3A_1030 : vector<128x1xi32>
    %mul3A_1032 = arith.constant 128 : i32
    %mul3A_1033 = vector.broadcast %mul3A_1032 : i32 to vector<128x16xi32>
    %mul3A_1034 = arith.muli %mul3A_1033, %iota3A_2 : vector<128x16xi32>
    %add3A_1035 = vector.broadcast %add3A_1031 : vector<128x1xi32> to vector<128x16xi32>
    %add3A_1036 = arith.addi %add3A_1035, %mul3A_1034 : vector<128x16xi32>
    %swap3A_1037 = arith.constant 0 : index
    %swap3A_1038 = arith.constant 192 : index
    %swap3A_1039 = vector.load %arg2[%swap3A_1037, %swap3A_1038] : memref<128x256xi32, #tpu.memory_space<vmem>>, vector<128x16xi32>
    tpu.vector_store %arg2[%swap3A_1037, %swap3A_1038], %add3A_1036 {strides = array<i32>} : memref<128x256xi32, #tpu.memory_space<vmem>>, vector<128x16xi32>,
    %reduce_min3A_1040 = arith.constant dense<0x7F800000> : vector<128xf32>
    %reduce_min3A_1041 = vector.multi_reduction <minimumf>, %select_n3A_974, %reduce_min3A_1040 [1] : vector<128x6272xf32> to vector<128xf32>
    %broadcast_in_dim3A_1042 = vector.shape_cast %reduce_min3A_1041 : vector<128xf32> to vector<128x1xf32>
    %le3A_1043 = vector.broadcast %broadcast_in_dim3A_1042 : vector<128x1xf32> to vector<128x6272xf32>
    %le3A_1044 = arith.cmpf ole, %select_n3A_974, %le3A_1043 : vector<128x6272xf32>
    %jit3A_1045 = arith.constant 2147483647 : i32
    %broadcast_in_dim3A_1046 = vector.broadcast %jit3A_1045 : i32 to vector<128x6272xi32>
    %select_n3A_1047 = arith.select %le3A_1044, %iota3A, %broadcast_in_dim3A_1046 : vector<128x6272xi1>, vector<128x6272xi32>
    %reduce_min3A_1048 = arith.constant dense<2147483647> : vector<128xi32>
    %reduce_min3A_1049 = vector.multi_reduction <minsi>, %select_n3A_1047, %reduce_min3A_1048 [1] : vector<128x6272xi32> to vector<128xi32>
    %broadcast_in_dim3A_1050 = vector.shape_cast %reduce_min3A_1049 : vector<128xi32> to vector<128x1xi32>
    %eq3A_1051 = vector.broadcast %broadcast_in_dim3A_1050 : vector<128x1xi32> to vector<128x6272xi32>
    %eq3A_1052 = arith.cmpi eq, %iota3A, %eq3A_1051 : vector<128x6272xi32>
    %jit3A_1053 = arith.constant 0x7F800000 : f32
    %broadcast_in_dim3A_1054 = vector.broadcast %jit3A_1053 : f32 to vector<128x6272xf32>
    %select_n3A_1055 = arith.select %eq3A_1052, %broadcast_in_dim3A_1054, %select_n3A_974 : vector<128x6272xi1>, vector<128x6272xf32>
    %jit3A_1056 = arith.constant 128 : i32
    %div3A_1057 = vector.broadcast %jit3A_1056 : i32 to vector<128x1xi32>
    %div3A_1058 = arith.divsi %broadcast_in_dim3A_1050, %div3A_1057 : vector<128x1xi32>
    %sign3A_1059 = arith.constant 0 : i32
    %sign3A_1060 = vector.broadcast %sign3A_1059 : i32 to vector<128x1xi32>
    %sign3A_1061 = arith.cmpi sgt, %broadcast_in_dim3A_1050, %sign3A_1060 : vector<128x1xi32>
    %sign3A_1062 = arith.extui %sign3A_1061 : vector<128x1xi1> to vector<128x1xi32>
    %sign3A_1063 = arith.constant 0 : i32
    %sign3A_1064 = vector.broadcast %sign3A_1063 : i32 to vector<128x1xi32>
    %sign3A_1065 = arith.cmpi slt, %broadcast_in_dim3A_1050, %sign3A_1064 : vector<128x1xi32>
    %sign3A_1066 = arith.extui %sign3A_1065 : vector<128x1xi1> to vector<128x1xi32>
    %sign3A_1067 = arith.subi %sign3A_1062, %sign3A_1066 : vector<128x1xi32>
    %sign3A_1068 = arith.constant 0 : i32
    %sign3A_1069 = arith.cmpi sgt, %jit3A_1056, %sign3A_1068 : i32
    %sign3A_1070 = arith.extui %sign3A_1069 : i1 to i32
    %sign3A_1071 = arith.constant 0 : i32
    %sign3A_1072 = arith.cmpi slt, %jit3A_1056, %sign3A_1071 : i32
    %sign3A_1073 = arith.extui %sign3A_1072 : i1 to i32
    %sign3A_1074 = arith.subi %sign3A_1070, %sign3A_1073 : i32
    %ne3A_1075 = vector.broadcast %sign3A_1074 : i32 to vector<128x1xi32>
    %ne3A_1076 = arith.cmpi ne, %sign3A_1067, %ne3A_1075 : vector<128x1xi32>
    %rem3A_1077 = vector.broadcast %jit3A_1056 : i32 to vector<128x1xi32>
    %rem3A_1078 = arith.remsi %broadcast_in_dim3A_1050, %rem3A_1077 : vector<128x1xi32>
    %ne3A_1079 = arith.constant 0 : i32
    %ne3A_1080 = vector.broadcast %ne3A_1079 : i32 to vector<128x1xi32>
    %ne3A_1081 = arith.cmpi ne, %rem3A_1078, %ne3A_1080 : vector<128x1xi32>
    %and3A_1082 = arith.andi %ne3A_1076, %ne3A_1081 : vector<128x1xi1>
    %sub3A_1083 = arith.constant 1 : i32
    %sub3A_1084 = vector.broadcast %sub3A_1083 : i32 to vector<128x1xi32>
    %sub3A_1085 = arith.subi %div3A_1058, %sub3A_1084 : vector<128x1xi32>
    %select_n3A_1086 = arith.select %and3A_1082, %sub3A_1085, %div3A_1058 : vector<128x1xi1>, vector<128x1xi32>
    %mul3A_1087 = arith.constant 2048 : i32
    %mul3A_1088 = vector.broadcast %mul3A_1087 : i32 to vector<128x1xi32>
    %mul3A_1089 = arith.muli %select_n3A_1086, %mul3A_1088 : vector<128x1xi32>
    %jit3A_1090 = arith.constant 128 : i32
    %eq3A_1091 = arith.constant 0 : i32
    %eq3A_1092 = arith.cmpi eq, %jit3A_1090, %eq3A_1091 : i32
    %jit3A_1093 = arith.constant 1 : i32
    %select_n3A_1094 = arith.select %eq3A_1092, %jit3A_1093, %jit3A_1090 : i32
    %rem3A_1095 = vector.broadcast %select_n3A_1094 : i32 to vector<128x1xi32>
    %rem3A_1096 = arith.remsi %broadcast_in_dim3A_1050, %rem3A_1095 : vector<128x1xi32>
    %ne3A_1097 = arith.constant 0 : i32
    %ne3A_1098 = vector.broadcast %ne3A_1097 : i32 to vector<128x1xi32>
    %ne3A_1099 = arith.cmpi ne, %rem3A_1096, %ne3A_1098 : vector<128x1xi32>
    %lt3A_1100 = arith.constant 0 : i32
    %lt3A_1101 = vector.broadcast %lt3A_1100 : i32 to vector<128x1xi32>
    %lt3A_1102 = arith.cmpi slt, %rem3A_1096, %lt3A_1101 : vector<128x1xi32>
    %lt3A_1103 = arith.constant 0 : i32
    %lt3A_1104 = arith.cmpi slt, %select_n3A_1094, %lt3A_1103 : i32
    %ne3A_1105 = vector.broadcast %lt3A_1104 : i1 to vector<128x1xi1>
    %ne3A_1106 = vector.broadcast %ne3A_1105 : vector<128x1xi1> to vector<128x1xi1>
    %ne3A_1107 = arith.xori %lt3A_1102, %ne3A_1106 : vector<128x1xi1>
    %and3A_1108 = arith.andi %ne3A_1107, %ne3A_1099 : vector<128x1xi1>
    %add3A_1109 = vector.broadcast %select_n3A_1094 : i32 to vector<128x1xi32>
    %add3A_1110 = arith.addi %rem3A_1096, %add3A_1109 : vector<128x1xi32>
    %select_n3A_1111 = arith.select %and3A_1108, %add3A_1110, %rem3A_1096 : vector<128x1xi1>, vector<128x1xi32>
    %add3A_1112 = arith.addi %mul3A_1089, %select_n3A_1111 : vector<128x1xi32>
    %mul3A_1113 = arith.constant 128 : i32
    %mul3A_1114 = vector.broadcast %mul3A_1113 : i32 to vector<128x16xi32>
    %mul3A_1115 = arith.muli %mul3A_1114, %iota3A_2 : vector<128x16xi32>
    %add3A_1116 = vector.broadcast %add3A_1112 : vector<128x1xi32> to vector<128x16xi32>
    %add3A_1117 = arith.addi %add3A_1116, %mul3A_1115 : vector<128x16xi32>
    %swap3A_1118 = arith.constant 0 : index
    %swap3A_1119 = arith.constant 208 : index
    %swap3A_1120 = vector.load %arg2[%swap3A_1118, %swap3A_1119] : memref<128x256xi32, #tpu.memory_space<vmem>>, vector<128x16xi32>
    tpu.vector_store %arg2[%swap3A_1118, %swap3A_1119], %add3A_1117 {strides = array<i32>} : memref<128x256xi32, #tpu.memory_space<vmem>>, vector<128x16xi32>,
    %reduce_min3A_1121 = arith.constant dense<0x7F800000> : vector<128xf32>
    %reduce_min3A_1122 = vector.multi_reduction <minimumf>, %select_n3A_1055, %reduce_min3A_1121 [1] : vector<128x6272xf32> to vector<128xf32>
    %broadcast_in_dim3A_1123 = vector.shape_cast %reduce_min3A_1122 : vector<128xf32> to vector<128x1xf32>
    %le3A_1124 = vector.broadcast %broadcast_in_dim3A_1123 : vector<128x1xf32> to vector<128x6272xf32>
    %le3A_1125 = arith.cmpf ole, %select_n3A_1055, %le3A_1124 : vector<128x6272xf32>
    %jit3A_1126 = arith.constant 2147483647 : i32
    %broadcast_in_dim3A_1127 = vector.broadcast %jit3A_1126 : i32 to vector<128x6272xi32>
    %select_n3A_1128 = arith.select %le3A_1125, %iota3A, %broadcast_in_dim3A_1127 : vector<128x6272xi1>, vector<128x6272xi32>
    %reduce_min3A_1129 = arith.constant dense<2147483647> : vector<128xi32>
    %reduce_min3A_1130 = vector.multi_reduction <minsi>, %select_n3A_1128, %reduce_min3A_1129 [1] : vector<128x6272xi32> to vector<128xi32>
    %broadcast_in_dim3A_1131 = vector.shape_cast %reduce_min3A_1130 : vector<128xi32> to vector<128x1xi32>
    %eq3A_1132 = vector.broadcast %broadcast_in_dim3A_1131 : vector<128x1xi32> to vector<128x6272xi32>
    %eq3A_1133 = arith.cmpi eq, %iota3A, %eq3A_1132 : vector<128x6272xi32>
    %jit3A_1134 = arith.constant 0x7F800000 : f32
    %broadcast_in_dim3A_1135 = vector.broadcast %jit3A_1134 : f32 to vector<128x6272xf32>
    %select_n3A_1136 = arith.select %eq3A_1133, %broadcast_in_dim3A_1135, %select_n3A_1055 : vector<128x6272xi1>, vector<128x6272xf32>
    %jit3A_1137 = arith.constant 128 : i32
    %div3A_1138 = vector.broadcast %jit3A_1137 : i32 to vector<128x1xi32>
    %div3A_1139 = arith.divsi %broadcast_in_dim3A_1131, %div3A_1138 : vector<128x1xi32>
    %sign3A_1140 = arith.constant 0 : i32
    %sign3A_1141 = vector.broadcast %sign3A_1140 : i32 to vector<128x1xi32>
    %sign3A_1142 = arith.cmpi sgt, %broadcast_in_dim3A_1131, %sign3A_1141 : vector<128x1xi32>
    %sign3A_1143 = arith.extui %sign3A_1142 : vector<128x1xi1> to vector<128x1xi32>
    %sign3A_1144 = arith.constant 0 : i32
    %sign3A_1145 = vector.broadcast %sign3A_1144 : i32 to vector<128x1xi32>
    %sign3A_1146 = arith.cmpi slt, %broadcast_in_dim3A_1131, %sign3A_1145 : vector<128x1xi32>
    %sign3A_1147 = arith.extui %sign3A_1146 : vector<128x1xi1> to vector<128x1xi32>
    %sign3A_1148 = arith.subi %sign3A_1143, %sign3A_1147 : vector<128x1xi32>
    %sign3A_1149 = arith.constant 0 : i32
    %sign3A_1150 = arith.cmpi sgt, %jit3A_1137, %sign3A_1149 : i32
    %sign3A_1151 = arith.extui %sign3A_1150 : i1 to i32
    %sign3A_1152 = arith.constant 0 : i32
    %sign3A_1153 = arith.cmpi slt, %jit3A_1137, %sign3A_1152 : i32
    %sign3A_1154 = arith.extui %sign3A_1153 : i1 to i32
    %sign3A_1155 = arith.subi %sign3A_1151, %sign3A_1154 : i32
    %ne3A_1156 = vector.broadcast %sign3A_1155 : i32 to vector<128x1xi32>
    %ne3A_1157 = arith.cmpi ne, %sign3A_1148, %ne3A_1156 : vector<128x1xi32>
    %rem3A_1158 = vector.broadcast %jit3A_1137 : i32 to vector<128x1xi32>
    %rem3A_1159 = arith.remsi %broadcast_in_dim3A_1131, %rem3A_1158 : vector<128x1xi32>
    %ne3A_1160 = arith.constant 0 : i32
    %ne3A_1161 = vector.broadcast %ne3A_1160 : i32 to vector<128x1xi32>
    %ne3A_1162 = arith.cmpi ne, %rem3A_1159, %ne3A_1161 : vector<128x1xi32>
    %and3A_1163 = arith.andi %ne3A_1157, %ne3A_1162 : vector<128x1xi1>
    %sub3A_1164 = arith.constant 1 : i32
    %sub3A_1165 = vector.broadcast %sub3A_1164 : i32 to vector<128x1xi32>
    %sub3A_1166 = arith.subi %div3A_1139, %sub3A_1165 : vector<128x1xi32>
    %select_n3A_1167 = arith.select %and3A_1163, %sub3A_1166, %div3A_1139 : vector<128x1xi1>, vector<128x1xi32>
    %mul3A_1168 = arith.constant 2048 : i32
    %mul3A_1169 = vector.broadcast %mul3A_1168 : i32 to vector<128x1xi32>
    %mul3A_1170 = arith.muli %select_n3A_1167, %mul3A_1169 : vector<128x1xi32>
    %jit3A_1171 = arith.constant 128 : i32
    %eq3A_1172 = arith.constant 0 : i32
    %eq3A_1173 = arith.cmpi eq, %jit3A_1171, %eq3A_1172 : i32
    %jit3A_1174 = arith.constant 1 : i32
    %select_n3A_1175 = arith.select %eq3A_1173, %jit3A_1174, %jit3A_1171 : i32
    %rem3A_1176 = vector.broadcast %select_n3A_1175 : i32 to vector<128x1xi32>
    %rem3A_1177 = arith.remsi %broadcast_in_dim3A_1131, %rem3A_1176 : vector<128x1xi32>
    %ne3A_1178 = arith.constant 0 : i32
    %ne3A_1179 = vector.broadcast %ne3A_1178 : i32 to vector<128x1xi32>
    %ne3A_1180 = arith.cmpi ne, %rem3A_1177, %ne3A_1179 : vector<128x1xi32>
    %lt3A_1181 = arith.constant 0 : i32
    %lt3A_1182 = vector.broadcast %lt3A_1181 : i32 to vector<128x1xi32>
    %lt3A_1183 = arith.cmpi slt, %rem3A_1177, %lt3A_1182 : vector<128x1xi32>
    %lt3A_1184 = arith.constant 0 : i32
    %lt3A_1185 = arith.cmpi slt, %select_n3A_1175, %lt3A_1184 : i32
    %ne3A_1186 = vector.broadcast %lt3A_1185 : i1 to vector<128x1xi1>
    %ne3A_1187 = vector.broadcast %ne3A_1186 : vector<128x1xi1> to vector<128x1xi1>
    %ne3A_1188 = arith.xori %lt3A_1183, %ne3A_1187 : vector<128x1xi1>
    %and3A_1189 = arith.andi %ne3A_1188, %ne3A_1180 : vector<128x1xi1>
    %add3A_1190 = vector.broadcast %select_n3A_1175 : i32 to vector<128x1xi32>
    %add3A_1191 = arith.addi %rem3A_1177, %add3A_1190 : vector<128x1xi32>
    %select_n3A_1192 = arith.select %and3A_1189, %add3A_1191, %rem3A_1177 : vector<128x1xi1>, vector<128x1xi32>
    %add3A_1193 = arith.addi %mul3A_1170, %select_n3A_1192 : vector<128x1xi32>
    %mul3A_1194 = arith.constant 128 : i32
    %mul3A_1195 = vector.broadcast %mul3A_1194 : i32 to vector<128x16xi32>
    %mul3A_1196 = arith.muli %mul3A_1195, %iota3A_2 : vector<128x16xi32>
    %add3A_1197 = vector.broadcast %add3A_1193 : vector<128x1xi32> to vector<128x16xi32>
    %add3A_1198 = arith.addi %add3A_1197, %mul3A_1196 : vector<128x16xi32>
    %swap3A_1199 = arith.constant 0 : index
    %swap3A_1200 = arith.constant 224 : index
    %swap3A_1201 = vector.load %arg2[%swap3A_1199, %swap3A_1200] : memref<128x256xi32, #tpu.memory_space<vmem>>, vector<128x16xi32>
    tpu.vector_store %arg2[%swap3A_1199, %swap3A_1200], %add3A_1198 {strides = array<i32>} : memref<128x256xi32, #tpu.memory_space<vmem>>, vector<128x16xi32>,
    %reduce_min3A_1202 = arith.constant dense<0x7F800000> : vector<128xf32>
    %reduce_min3A_1203 = vector.multi_reduction <minimumf>, %select_n3A_1136, %reduce_min3A_1202 [1] : vector<128x6272xf32> to vector<128xf32>
    %broadcast_in_dim3A_1204 = vector.shape_cast %reduce_min3A_1203 : vector<128xf32> to vector<128x1xf32>
    %le3A_1205 = vector.broadcast %broadcast_in_dim3A_1204 : vector<128x1xf32> to vector<128x6272xf32>
    %le3A_1206 = arith.cmpf ole, %select_n3A_1136, %le3A_1205 : vector<128x6272xf32>
    %jit3A_1207 = arith.constant 2147483647 : i32
    %broadcast_in_dim3A_1208 = vector.broadcast %jit3A_1207 : i32 to vector<128x6272xi32>
    %select_n3A_1209 = arith.select %le3A_1206, %iota3A, %broadcast_in_dim3A_1208 : vector<128x6272xi1>, vector<128x6272xi32>
    %reduce_min3A_1210 = arith.constant dense<2147483647> : vector<128xi32>
    %reduce_min3A_1211 = vector.multi_reduction <minsi>, %select_n3A_1209, %reduce_min3A_1210 [1] : vector<128x6272xi32> to vector<128xi32>
    %broadcast_in_dim3A_1212 = vector.shape_cast %reduce_min3A_1211 : vector<128xi32> to vector<128x1xi32>
    %jit3A_1213 = arith.constant 128 : i32
    %div3A_1214 = vector.broadcast %jit3A_1213 : i32 to vector<128x1xi32>
    %div3A_1215 = arith.divsi %broadcast_in_dim3A_1212, %div3A_1214 : vector<128x1xi32>
    %sign3A_1216 = arith.constant 0 : i32
    %sign3A_1217 = vector.broadcast %sign3A_1216 : i32 to vector<128x1xi32>
    %sign3A_1218 = arith.cmpi sgt, %broadcast_in_dim3A_1212, %sign3A_1217 : vector<128x1xi32>
    %sign3A_1219 = arith.extui %sign3A_1218 : vector<128x1xi1> to vector<128x1xi32>
    %sign3A_1220 = arith.constant 0 : i32
    %sign3A_1221 = vector.broadcast %sign3A_1220 : i32 to vector<128x1xi32>
    %sign3A_1222 = arith.cmpi slt, %broadcast_in_dim3A_1212, %sign3A_1221 : vector<128x1xi32>
    %sign3A_1223 = arith.extui %sign3A_1222 : vector<128x1xi1> to vector<128x1xi32>
    %sign3A_1224 = arith.subi %sign3A_1219, %sign3A_1223 : vector<128x1xi32>
    %sign3A_1225 = arith.constant 0 : i32
    %sign3A_1226 = arith.cmpi sgt, %jit3A_1213, %sign3A_1225 : i32
    %sign3A_1227 = arith.extui %sign3A_1226 : i1 to i32
    %sign3A_1228 = arith.constant 0 : i32
    %sign3A_1229 = arith.cmpi slt, %jit3A_1213, %sign3A_1228 : i32
    %sign3A_1230 = arith.extui %sign3A_1229 : i1 to i32
    %sign3A_1231 = arith.subi %sign3A_1227, %sign3A_1230 : i32
    %ne3A_1232 = vector.broadcast %sign3A_1231 : i32 to vector<128x1xi32>
    %ne3A_1233 = arith.cmpi ne, %sign3A_1224, %ne3A_1232 : vector<128x1xi32>
    %rem3A_1234 = vector.broadcast %jit3A_1213 : i32 to vector<128x1xi32>
    %rem3A_1235 = arith.remsi %broadcast_in_dim3A_1212, %rem3A_1234 : vector<128x1xi32>
    %ne3A_1236 = arith.constant 0 : i32
    %ne3A_1237 = vector.broadcast %ne3A_1236 : i32 to vector<128x1xi32>
    %ne3A_1238 = arith.cmpi ne, %rem3A_1235, %ne3A_1237 : vector<128x1xi32>
    %and3A_1239 = arith.andi %ne3A_1233, %ne3A_1238 : vector<128x1xi1>
    %sub3A_1240 = arith.constant 1 : i32
    %sub3A_1241 = vector.broadcast %sub3A_1240 : i32 to vector<128x1xi32>
    %sub3A_1242 = arith.subi %div3A_1215, %sub3A_1241 : vector<128x1xi32>
    %select_n3A_1243 = arith.select %and3A_1239, %sub3A_1242, %div3A_1215 : vector<128x1xi1>, vector<128x1xi32>
    %mul3A_1244 = arith.constant 2048 : i32
    %mul3A_1245 = vector.broadcast %mul3A_1244 : i32 to vector<128x1xi32>
    %mul3A_1246 = arith.muli %select_n3A_1243, %mul3A_1245 : vector<128x1xi32>
    %jit3A_1247 = arith.constant 128 : i32
    %eq3A_1248 = arith.constant 0 : i32
    %eq3A_1249 = arith.cmpi eq, %jit3A_1247, %eq3A_1248 : i32
    %jit3A_1250 = arith.constant 1 : i32
    %select_n3A_1251 = arith.select %eq3A_1249, %jit3A_1250, %jit3A_1247 : i32
    %rem3A_1252 = vector.broadcast %select_n3A_1251 : i32 to vector<128x1xi32>
    %rem3A_1253 = arith.remsi %broadcast_in_dim3A_1212, %rem3A_1252 : vector<128x1xi32>
    %ne3A_1254 = arith.constant 0 : i32
    %ne3A_1255 = vector.broadcast %ne3A_1254 : i32 to vector<128x1xi32>
    %ne3A_1256 = arith.cmpi ne, %rem3A_1253, %ne3A_1255 : vector<128x1xi32>
    %lt3A_1257 = arith.constant 0 : i32
    %lt3A_1258 = vector.broadcast %lt3A_1257 : i32 to vector<128x1xi32>
    %lt3A_1259 = arith.cmpi slt, %rem3A_1253, %lt3A_1258 : vector<128x1xi32>
    %lt3A_1260 = arith.constant 0 : i32
    %lt3A_1261 = arith.cmpi slt, %select_n3A_1251, %lt3A_1260 : i32
    %ne3A_1262 = vector.broadcast %lt3A_1261 : i1 to vector<128x1xi1>
    %ne3A_1263 = vector.broadcast %ne3A_1262 : vector<128x1xi1> to vector<128x1xi1>
    %ne3A_1264 = arith.xori %lt3A_1259, %ne3A_1263 : vector<128x1xi1>
    %and3A_1265 = arith.andi %ne3A_1264, %ne3A_1256 : vector<128x1xi1>
    %add3A_1266 = vector.broadcast %select_n3A_1251 : i32 to vector<128x1xi32>
    %add3A_1267 = arith.addi %rem3A_1253, %add3A_1266 : vector<128x1xi32>
    %select_n3A_1268 = arith.select %and3A_1265, %add3A_1267, %rem3A_1253 : vector<128x1xi1>, vector<128x1xi32>
    %add3A_1269 = arith.addi %mul3A_1246, %select_n3A_1268 : vector<128x1xi32>
    %mul3A_1270 = arith.constant 128 : i32
    %mul3A_1271 = vector.broadcast %mul3A_1270 : i32 to vector<128x16xi32>
    %mul3A_1272 = arith.muli %mul3A_1271, %iota3A_2 : vector<128x16xi32>
    %add3A_1273 = vector.broadcast %add3A_1269 : vector<128x1xi32> to vector<128x16xi32>
    %add3A_1274 = arith.addi %add3A_1273, %mul3A_1272 : vector<128x16xi32>
    %swap3A_1275 = arith.constant 0 : index
    %swap3A_1276 = arith.constant 240 : index
    %swap3A_1277 = vector.load %arg2[%swap3A_1275, %swap3A_1276] : memref<128x256xi32, #tpu.memory_space<vmem>>, vector<128x16xi32>
    tpu.vector_store %arg2[%swap3A_1275, %swap3A_1276], %add3A_1274 {strides = array<i32>} : memref<128x256xi32, #tpu.memory_space<vmem>>, vector<128x16xi32>,
    return
  }
  func.func @transform_0(%arg0: i32) -> (i32, i32) {
    %c0_i32 = arith.constant 0 : i32
    %c0_i32_0 = arith.constant 0 : i32
    return %arg0, %c0_i32 : i32, i32
  }
  func.func @transform_1(%arg0: i32) -> (i32, i32) {
    %c0_i32 = arith.constant 0 : i32
    %c0_i32_0 = arith.constant 0 : i32
    return %arg0, %c0_i32 : i32, i32
  }
}

module attributes {stable_mosaic.version = 14 : i64} {
  func.func @_final_body(%arg0: i32, %arg1: memref<64x64xf32, #tpu.memory_space<vmem>>, %arg2: memref<64x256x128xf32, #tpu.memory_space<vmem>>, %arg3: memref<64x256xi32, #tpu.memory_space<vmem>>, %arg4: memref<64x1024xf32, #tpu.memory_space<vmem>>, %arg5: memref<1x1024xf32, #tpu.memory_space<vmem>>, %arg6: memref<64x1024xf32, #tpu.memory_space<vmem>>) attributes {dimension_semantics = [#tpu.dimension_semantics<arbitrary>], iteration_bounds = array<i64: 16>, scalar_prefetch = 0 : i64, scratch_operands = 0 : i64, tpu.core_type = #tpu.core_type<tc>, window_params = [{transform_indices = @transform_0, window_bounds = array<i64: 64, 64>}, {transform_indices = @transform_1, window_bounds = array<i64: 64, 256, 128>}, {transform_indices = @transform_2, window_bounds = array<i64: 64, 256>}, {pipeline_mode = #tpu.pipeline_mode<synchronous>, transform_indices = @transform_3, window_bounds = array<i64: 64, 1024>}, {pipeline_mode = #tpu.pipeline_mode<synchronous>, transform_indices = @transform_4, window_bounds = array<i64: 1, 1024>}, {transform_indices = @transform_5, window_bounds = array<i64: 64, 1024>}]} {
    %get3A = arith.constant 0 : index
    %get3A_0 = arith.constant 0 : index
    %get3A_1 = vector.load %arg1[%get3A, %get3A_0] : memref<64x64xf32, #tpu.memory_space<vmem>>, vector<64x64xf32>
    %get3A_2 = arith.constant 0 : index
    %get3A_3 = arith.constant 0 : index
    %get3A_4 = arith.constant 0 : index
    %get3A_5 = vector.load %arg2[%get3A_2, %get3A_3, %get3A_4] : memref<64x256x128xf32, #tpu.memory_space<vmem>>, vector<64x256x64xf32>
    %get3A_6 = arith.constant 0 : index
    %get3A_7 = arith.constant 0 : index
    %get3A_8 = arith.constant 64 : index
    %get3A_9 = vector.load %arg2[%get3A_6, %get3A_7, %get3A_8] : memref<64x256x128xf32, #tpu.memory_space<vmem>>, vector<64x256x1xf32>
    %get3A_10 = vector.shape_cast %get3A_9 : vector<64x256x1xf32> to vector<64x256xf32>
    %get3A_11 = arith.constant 0 : index
    %get3A_12 = arith.constant 0 : index
    %get3A_13 = arith.constant 65 : index
    %get3A_14 = vector.load %arg2[%get3A_11, %get3A_12, %get3A_13] : memref<64x256x128xf32, #tpu.memory_space<vmem>>, vector<64x256x1xf32>
    %get3A_15 = vector.shape_cast %get3A_14 : vector<64x256x1xf32> to vector<64x256xf32>
    %get3A_16 = arith.constant 0 : index
    %get3A_17 = arith.constant 0 : index
    %get3A_18 = vector.load %arg3[%get3A_16, %get3A_17] : memref<64x256xi32, #tpu.memory_space<vmem>>, vector<64x256xi32>
    %max3A = arith.constant 9.99999996E-13 : f32
    %max3A_19 = vector.broadcast %max3A : f32 to vector<64x256xf32>
    %max3A_20 = arith.maximumf %get3A_10, %max3A_19 : vector<64x256xf32>
    %div3A = arith.constant 0.999989986 : f32
    %div3A_21 = vector.broadcast %div3A : f32 to vector<64x256xf32>
    %div3A_22 = arith.divf %div3A_21, %max3A_20 : vector<64x256xf32>
    %min3A = arith.constant 1.000000e+00 : f32
    %min3A_23 = vector.broadcast %min3A : f32 to vector<64x256xf32>
    %min3A_24 = arith.minimumf %min3A_23, %div3A_22 : vector<64x256xf32>
    %broadcast_in_dim3A = vector.shape_cast %min3A_24 : vector<64x256xf32> to vector<64x256x1xf32>
    %mul3A = vector.broadcast %broadcast_in_dim3A : vector<64x256x1xf32> to vector<64x256x64xf32>
    %mul3A_25 = arith.mulf %get3A_5, %mul3A : vector<64x256x64xf32>
    %mul3A_26 = arith.mulf %get3A_1, %get3A_1 : vector<64x64xf32>
    %reduce_sum3A = arith.constant dense<0.000000e+00> : vector<64xf32>
    %reduce_sum3A_27 = vector.multi_reduction <add>, %mul3A_26, %reduce_sum3A [1] : vector<64x64xf32> to vector<64xf32>
    %broadcast_in_dim3A_28 = vector.shape_cast %reduce_sum3A_27 : vector<64xf32> to vector<64x1xf32>
    %broadcast_in_dim3A_29 = vector.shape_cast %get3A_1 : vector<64x64xf32> to vector<64x1x64xf32>
    %mul3A_30 = vector.broadcast %broadcast_in_dim3A_29 : vector<64x1x64xf32> to vector<64x256x64xf32>
    %mul3A_31 = arith.mulf %mul3A_25, %mul3A_30 : vector<64x256x64xf32>
    %reduce_sum3A_32 = arith.constant dense<0.000000e+00> : vector<64x256xf32>
    %reduce_sum3A_33 = vector.multi_reduction <add>, %mul3A_31, %reduce_sum3A_32 [2] : vector<64x256x64xf32> to vector<64x256xf32>
    %add3A = vector.broadcast %broadcast_in_dim3A_28 : vector<64x1xf32> to vector<64x256xf32>
    %add3A_34 = arith.addf %add3A, %get3A_15 : vector<64x256xf32>
    %mul3A_35 = arith.constant 2.000000e+00 : f32
    %mul3A_36 = vector.broadcast %mul3A_35 : f32 to vector<64x256xf32>
    %mul3A_37 = arith.mulf %mul3A_36, %reduce_sum3A_33 : vector<64x256xf32>
    %sub3A = arith.subf %add3A_34, %mul3A_37 : vector<64x256xf32>
    %max3A_38 = arith.constant 0.000000e+00 : f32
    %max3A_39 = vector.broadcast %max3A_38 : f32 to vector<64x256xf32>
    %max3A_40 = arith.maximumf %sub3A, %max3A_39 : vector<64x256xf32>
    %sub3A_41 = arith.constant 1.000000e+00 : f32
    %sub3A_42 = vector.broadcast %sub3A_41 : f32 to vector<64x1xf32>
    %sub3A_43 = arith.subf %sub3A_42, %broadcast_in_dim3A_28 : vector<64x1xf32>
    %sub3A_44 = arith.constant 1.000000e+00 : f32
    %sub3A_45 = vector.broadcast %sub3A_44 : f32 to vector<64x256xf32>
    %sub3A_46 = arith.subf %sub3A_45, %get3A_15 : vector<64x256xf32>
    %mul3A_47 = vector.broadcast %sub3A_43 : vector<64x1xf32> to vector<64x256xf32>
    %mul3A_48 = arith.mulf %mul3A_47, %sub3A_46 : vector<64x256xf32>
    %max3A_49 = arith.constant 9.99999996E-13 : f32
    %max3A_50 = vector.broadcast %max3A_49 : f32 to vector<64x256xf32>
    %max3A_51 = arith.maximumf %mul3A_48, %max3A_50 : vector<64x256xf32>
    %mul3A_52 = arith.constant 2.000000e+00 : f32
    %mul3A_53 = vector.broadcast %mul3A_52 : f32 to vector<64x256xf32>
    %mul3A_54 = arith.mulf %mul3A_53, %max3A_40 : vector<64x256xf32>
    %div3A_55 = arith.divf %mul3A_54, %max3A_51 : vector<64x256xf32>
    %add3A_56 = arith.constant 1.000000e+00 : f32
    %add3A_57 = vector.broadcast %add3A_56 : f32 to vector<64x256xf32>
    %add3A_58 = arith.addf %add3A_57, %div3A_55 : vector<64x256xf32>
    %max3A_59 = arith.constant 1.00000012 : f32
    %max3A_60 = vector.broadcast %max3A_59 : f32 to vector<64x256xf32>
    %max3A_61 = arith.maximumf %add3A_58, %max3A_60 : vector<64x256xf32>
    %mul3A_62 = arith.mulf %max3A_61, %max3A_61 : vector<64x256xf32>
    %sub3A_63 = arith.constant 1.000000e+00 : f32
    %sub3A_64 = vector.broadcast %sub3A_63 : f32 to vector<64x256xf32>
    %sub3A_65 = arith.subf %mul3A_62, %sub3A_64 : vector<64x256xf32>
    %sqrt3A = math.sqrt %sub3A_65 : vector<64x256xf32>
    %add3A_66 = arith.addf %max3A_61, %sqrt3A : vector<64x256xf32>
    %log3A = math.log %add3A_66 : vector<64x256xf32>
    %lt3A = arith.constant 100000 : i32
    %lt3A_67 = vector.broadcast %lt3A : i32 to vector<64x256xi32>
    %lt3A_68 = arith.cmpi slt, %get3A_18, %lt3A_67 : vector<64x256xi32>
    %jit3A = arith.constant 0x7F800000 : f32
    %broadcast_in_dim3A_69 = vector.broadcast %jit3A : f32 to vector<64x256xf32>
    %select_n3A = arith.select %lt3A_68, %log3A, %broadcast_in_dim3A_69 : vector<64x256xi1>, vector<64x256xf32>
    %broadcast_in_dim3A_70 = arith.constant false
    %broadcast_in_dim3A_71 = vector.broadcast %broadcast_in_dim3A_70 : i1 to vector<64x256xi1>
    %reduce_min3A = arith.constant dense<0x7F800000> : vector<64xf32>
    %reduce_min3A_72 = vector.multi_reduction <minimumf>, %select_n3A, %reduce_min3A [1] : vector<64x256xf32> to vector<64xf32>
    %broadcast_in_dim3A_73 = vector.shape_cast %reduce_min3A_72 : vector<64xf32> to vector<64x1xf32>
    %le3A = vector.broadcast %broadcast_in_dim3A_73 : vector<64x1xf32> to vector<64x256xf32>
    %le3A_74 = arith.cmpf ole, %select_n3A, %le3A : vector<64x256xf32>
    %jit3A_75 = arith.constant 2147483647 : i32
    %broadcast_in_dim3A_76 = vector.broadcast %jit3A_75 : i32 to vector<64x256xi32>
    %select_n3A_77 = arith.select %le3A_74, %get3A_18, %broadcast_in_dim3A_76 : vector<64x256xi1>, vector<64x256xi32>
    %reduce_min3A_78 = arith.constant dense<2147483647> : vector<64xi32>
    %reduce_min3A_79 = vector.multi_reduction <minsi>, %select_n3A_77, %reduce_min3A_78 [1] : vector<64x256xi32> to vector<64xi32>
    %broadcast_in_dim3A_80 = vector.shape_cast %reduce_min3A_79 : vector<64xi32> to vector<64x1xi32>
    %eq3A = vector.broadcast %broadcast_in_dim3A_80 : vector<64x1xi32> to vector<64x256xi32>
    %eq3A_81 = arith.cmpi eq, %get3A_18, %eq3A : vector<64x256xi32>
    %and3A = arith.andi %le3A_74, %eq3A_81 : vector<64x256xi1>
    %or3A = arith.ori %broadcast_in_dim3A_71, %and3A : vector<64x256xi1>
    %jit3A_82 = arith.constant 0x7F800000 : f32
    %broadcast_in_dim3A_83 = vector.broadcast %jit3A_82 : f32 to vector<64x256xf32>
    %select_n3A_84 = arith.select %and3A, %broadcast_in_dim3A_83, %select_n3A : vector<64x256xi1>, vector<64x256xf32>
    %reduce_min3A_85 = arith.constant dense<0x7F800000> : vector<64xf32>
    %reduce_min3A_86 = vector.multi_reduction <minimumf>, %select_n3A_84, %reduce_min3A_85 [1] : vector<64x256xf32> to vector<64xf32>
    %broadcast_in_dim3A_87 = vector.shape_cast %reduce_min3A_86 : vector<64xf32> to vector<64x1xf32>
    %le3A_88 = vector.broadcast %broadcast_in_dim3A_87 : vector<64x1xf32> to vector<64x256xf32>
    %le3A_89 = arith.cmpf ole, %select_n3A_84, %le3A_88 : vector<64x256xf32>
    %jit3A_90 = arith.constant 2147483647 : i32
    %broadcast_in_dim3A_91 = vector.broadcast %jit3A_90 : i32 to vector<64x256xi32>
    %select_n3A_92 = arith.select %le3A_89, %get3A_18, %broadcast_in_dim3A_91 : vector<64x256xi1>, vector<64x256xi32>
    %reduce_min3A_93 = arith.constant dense<2147483647> : vector<64xi32>
    %reduce_min3A_94 = vector.multi_reduction <minsi>, %select_n3A_92, %reduce_min3A_93 [1] : vector<64x256xi32> to vector<64xi32>
    %broadcast_in_dim3A_95 = vector.shape_cast %reduce_min3A_94 : vector<64xi32> to vector<64x1xi32>
    %eq3A_96 = vector.broadcast %broadcast_in_dim3A_95 : vector<64x1xi32> to vector<64x256xi32>
    %eq3A_97 = arith.cmpi eq, %get3A_18, %eq3A_96 : vector<64x256xi32>
    %and3A_98 = arith.andi %le3A_89, %eq3A_97 : vector<64x256xi1>
    %or3A_99 = arith.ori %or3A, %and3A_98 : vector<64x256xi1>
    %jit3A_100 = arith.constant 0x7F800000 : f32
    %broadcast_in_dim3A_101 = vector.broadcast %jit3A_100 : f32 to vector<64x256xf32>
    %select_n3A_102 = arith.select %and3A_98, %broadcast_in_dim3A_101, %select_n3A_84 : vector<64x256xi1>, vector<64x256xf32>
    %reduce_min3A_103 = arith.constant dense<0x7F800000> : vector<64xf32>
    %reduce_min3A_104 = vector.multi_reduction <minimumf>, %select_n3A_102, %reduce_min3A_103 [1] : vector<64x256xf32> to vector<64xf32>
    %broadcast_in_dim3A_105 = vector.shape_cast %reduce_min3A_104 : vector<64xf32> to vector<64x1xf32>
    %le3A_106 = vector.broadcast %broadcast_in_dim3A_105 : vector<64x1xf32> to vector<64x256xf32>
    %le3A_107 = arith.cmpf ole, %select_n3A_102, %le3A_106 : vector<64x256xf32>
    %jit3A_108 = arith.constant 2147483647 : i32
    %broadcast_in_dim3A_109 = vector.broadcast %jit3A_108 : i32 to vector<64x256xi32>
    %select_n3A_110 = arith.select %le3A_107, %get3A_18, %broadcast_in_dim3A_109 : vector<64x256xi1>, vector<64x256xi32>
    %reduce_min3A_111 = arith.constant dense<2147483647> : vector<64xi32>
    %reduce_min3A_112 = vector.multi_reduction <minsi>, %select_n3A_110, %reduce_min3A_111 [1] : vector<64x256xi32> to vector<64xi32>
    %broadcast_in_dim3A_113 = vector.shape_cast %reduce_min3A_112 : vector<64xi32> to vector<64x1xi32>
    %eq3A_114 = vector.broadcast %broadcast_in_dim3A_113 : vector<64x1xi32> to vector<64x256xi32>
    %eq3A_115 = arith.cmpi eq, %get3A_18, %eq3A_114 : vector<64x256xi32>
    %and3A_116 = arith.andi %le3A_107, %eq3A_115 : vector<64x256xi1>
    %or3A_117 = arith.ori %or3A_99, %and3A_116 : vector<64x256xi1>
    %jit3A_118 = arith.constant 0x7F800000 : f32
    %broadcast_in_dim3A_119 = vector.broadcast %jit3A_118 : f32 to vector<64x256xf32>
    %select_n3A_120 = arith.select %and3A_116, %broadcast_in_dim3A_119, %select_n3A_102 : vector<64x256xi1>, vector<64x256xf32>
    %reduce_min3A_121 = arith.constant dense<0x7F800000> : vector<64xf32>
    %reduce_min3A_122 = vector.multi_reduction <minimumf>, %select_n3A_120, %reduce_min3A_121 [1] : vector<64x256xf32> to vector<64xf32>
    %broadcast_in_dim3A_123 = vector.shape_cast %reduce_min3A_122 : vector<64xf32> to vector<64x1xf32>
    %le3A_124 = vector.broadcast %broadcast_in_dim3A_123 : vector<64x1xf32> to vector<64x256xf32>
    %le3A_125 = arith.cmpf ole, %select_n3A_120, %le3A_124 : vector<64x256xf32>
    %jit3A_126 = arith.constant 2147483647 : i32
    %broadcast_in_dim3A_127 = vector.broadcast %jit3A_126 : i32 to vector<64x256xi32>
    %select_n3A_128 = arith.select %le3A_125, %get3A_18, %broadcast_in_dim3A_127 : vector<64x256xi1>, vector<64x256xi32>
    %reduce_min3A_129 = arith.constant dense<2147483647> : vector<64xi32>
    %reduce_min3A_130 = vector.multi_reduction <minsi>, %select_n3A_128, %reduce_min3A_129 [1] : vector<64x256xi32> to vector<64xi32>
    %broadcast_in_dim3A_131 = vector.shape_cast %reduce_min3A_130 : vector<64xi32> to vector<64x1xi32>
    %eq3A_132 = vector.broadcast %broadcast_in_dim3A_131 : vector<64x1xi32> to vector<64x256xi32>
    %eq3A_133 = arith.cmpi eq, %get3A_18, %eq3A_132 : vector<64x256xi32>
    %and3A_134 = arith.andi %le3A_125, %eq3A_133 : vector<64x256xi1>
    %or3A_135 = arith.ori %or3A_117, %and3A_134 : vector<64x256xi1>
    %jit3A_136 = arith.constant 0x7F800000 : f32
    %broadcast_in_dim3A_137 = vector.broadcast %jit3A_136 : f32 to vector<64x256xf32>
    %select_n3A_138 = arith.select %and3A_134, %broadcast_in_dim3A_137, %select_n3A_120 : vector<64x256xi1>, vector<64x256xf32>
    %reduce_min3A_139 = arith.constant dense<0x7F800000> : vector<64xf32>
    %reduce_min3A_140 = vector.multi_reduction <minimumf>, %select_n3A_138, %reduce_min3A_139 [1] : vector<64x256xf32> to vector<64xf32>
    %broadcast_in_dim3A_141 = vector.shape_cast %reduce_min3A_140 : vector<64xf32> to vector<64x1xf32>
    %le3A_142 = vector.broadcast %broadcast_in_dim3A_141 : vector<64x1xf32> to vector<64x256xf32>
    %le3A_143 = arith.cmpf ole, %select_n3A_138, %le3A_142 : vector<64x256xf32>
    %jit3A_144 = arith.constant 2147483647 : i32
    %broadcast_in_dim3A_145 = vector.broadcast %jit3A_144 : i32 to vector<64x256xi32>
    %select_n3A_146 = arith.select %le3A_143, %get3A_18, %broadcast_in_dim3A_145 : vector<64x256xi1>, vector<64x256xi32>
    %reduce_min3A_147 = arith.constant dense<2147483647> : vector<64xi32>
    %reduce_min3A_148 = vector.multi_reduction <minsi>, %select_n3A_146, %reduce_min3A_147 [1] : vector<64x256xi32> to vector<64xi32>
    %broadcast_in_dim3A_149 = vector.shape_cast %reduce_min3A_148 : vector<64xi32> to vector<64x1xi32>
    %eq3A_150 = vector.broadcast %broadcast_in_dim3A_149 : vector<64x1xi32> to vector<64x256xi32>
    %eq3A_151 = arith.cmpi eq, %get3A_18, %eq3A_150 : vector<64x256xi32>
    %and3A_152 = arith.andi %le3A_143, %eq3A_151 : vector<64x256xi1>
    %or3A_153 = arith.ori %or3A_135, %and3A_152 : vector<64x256xi1>
    %jit3A_154 = arith.constant 0x7F800000 : f32
    %broadcast_in_dim3A_155 = vector.broadcast %jit3A_154 : f32 to vector<64x256xf32>
    %select_n3A_156 = arith.select %and3A_152, %broadcast_in_dim3A_155, %select_n3A_138 : vector<64x256xi1>, vector<64x256xf32>
    %reduce_min3A_157 = arith.constant dense<0x7F800000> : vector<64xf32>
    %reduce_min3A_158 = vector.multi_reduction <minimumf>, %select_n3A_156, %reduce_min3A_157 [1] : vector<64x256xf32> to vector<64xf32>
    %broadcast_in_dim3A_159 = vector.shape_cast %reduce_min3A_158 : vector<64xf32> to vector<64x1xf32>
    %le3A_160 = vector.broadcast %broadcast_in_dim3A_159 : vector<64x1xf32> to vector<64x256xf32>
    %le3A_161 = arith.cmpf ole, %select_n3A_156, %le3A_160 : vector<64x256xf32>
    %jit3A_162 = arith.constant 2147483647 : i32
    %broadcast_in_dim3A_163 = vector.broadcast %jit3A_162 : i32 to vector<64x256xi32>
    %select_n3A_164 = arith.select %le3A_161, %get3A_18, %broadcast_in_dim3A_163 : vector<64x256xi1>, vector<64x256xi32>
    %reduce_min3A_165 = arith.constant dense<2147483647> : vector<64xi32>
    %reduce_min3A_166 = vector.multi_reduction <minsi>, %select_n3A_164, %reduce_min3A_165 [1] : vector<64x256xi32> to vector<64xi32>
    %broadcast_in_dim3A_167 = vector.shape_cast %reduce_min3A_166 : vector<64xi32> to vector<64x1xi32>
    %eq3A_168 = vector.broadcast %broadcast_in_dim3A_167 : vector<64x1xi32> to vector<64x256xi32>
    %eq3A_169 = arith.cmpi eq, %get3A_18, %eq3A_168 : vector<64x256xi32>
    %and3A_170 = arith.andi %le3A_161, %eq3A_169 : vector<64x256xi1>
    %or3A_171 = arith.ori %or3A_153, %and3A_170 : vector<64x256xi1>
    %jit3A_172 = arith.constant 0x7F800000 : f32
    %broadcast_in_dim3A_173 = vector.broadcast %jit3A_172 : f32 to vector<64x256xf32>
    %select_n3A_174 = arith.select %and3A_170, %broadcast_in_dim3A_173, %select_n3A_156 : vector<64x256xi1>, vector<64x256xf32>
    %reduce_min3A_175 = arith.constant dense<0x7F800000> : vector<64xf32>
    %reduce_min3A_176 = vector.multi_reduction <minimumf>, %select_n3A_174, %reduce_min3A_175 [1] : vector<64x256xf32> to vector<64xf32>
    %broadcast_in_dim3A_177 = vector.shape_cast %reduce_min3A_176 : vector<64xf32> to vector<64x1xf32>
    %le3A_178 = vector.broadcast %broadcast_in_dim3A_177 : vector<64x1xf32> to vector<64x256xf32>
    %le3A_179 = arith.cmpf ole, %select_n3A_174, %le3A_178 : vector<64x256xf32>
    %jit3A_180 = arith.constant 2147483647 : i32
    %broadcast_in_dim3A_181 = vector.broadcast %jit3A_180 : i32 to vector<64x256xi32>
    %select_n3A_182 = arith.select %le3A_179, %get3A_18, %broadcast_in_dim3A_181 : vector<64x256xi1>, vector<64x256xi32>
    %reduce_min3A_183 = arith.constant dense<2147483647> : vector<64xi32>
    %reduce_min3A_184 = vector.multi_reduction <minsi>, %select_n3A_182, %reduce_min3A_183 [1] : vector<64x256xi32> to vector<64xi32>
    %broadcast_in_dim3A_185 = vector.shape_cast %reduce_min3A_184 : vector<64xi32> to vector<64x1xi32>
    %eq3A_186 = vector.broadcast %broadcast_in_dim3A_185 : vector<64x1xi32> to vector<64x256xi32>
    %eq3A_187 = arith.cmpi eq, %get3A_18, %eq3A_186 : vector<64x256xi32>
    %and3A_188 = arith.andi %le3A_179, %eq3A_187 : vector<64x256xi1>
    %or3A_189 = arith.ori %or3A_171, %and3A_188 : vector<64x256xi1>
    %jit3A_190 = arith.constant 0x7F800000 : f32
    %broadcast_in_dim3A_191 = vector.broadcast %jit3A_190 : f32 to vector<64x256xf32>
    %select_n3A_192 = arith.select %and3A_188, %broadcast_in_dim3A_191, %select_n3A_174 : vector<64x256xi1>, vector<64x256xf32>
    %reduce_min3A_193 = arith.constant dense<0x7F800000> : vector<64xf32>
    %reduce_min3A_194 = vector.multi_reduction <minimumf>, %select_n3A_192, %reduce_min3A_193 [1] : vector<64x256xf32> to vector<64xf32>
    %broadcast_in_dim3A_195 = vector.shape_cast %reduce_min3A_194 : vector<64xf32> to vector<64x1xf32>
    %le3A_196 = vector.broadcast %broadcast_in_dim3A_195 : vector<64x1xf32> to vector<64x256xf32>
    %le3A_197 = arith.cmpf ole, %select_n3A_192, %le3A_196 : vector<64x256xf32>
    %jit3A_198 = arith.constant 2147483647 : i32
    %broadcast_in_dim3A_199 = vector.broadcast %jit3A_198 : i32 to vector<64x256xi32>
    %select_n3A_200 = arith.select %le3A_197, %get3A_18, %broadcast_in_dim3A_199 : vector<64x256xi1>, vector<64x256xi32>
    %reduce_min3A_201 = arith.constant dense<2147483647> : vector<64xi32>
    %reduce_min3A_202 = vector.multi_reduction <minsi>, %select_n3A_200, %reduce_min3A_201 [1] : vector<64x256xi32> to vector<64xi32>
    %broadcast_in_dim3A_203 = vector.shape_cast %reduce_min3A_202 : vector<64xi32> to vector<64x1xi32>
    %eq3A_204 = vector.broadcast %broadcast_in_dim3A_203 : vector<64x1xi32> to vector<64x256xi32>
    %eq3A_205 = arith.cmpi eq, %get3A_18, %eq3A_204 : vector<64x256xi32>
    %and3A_206 = arith.andi %le3A_197, %eq3A_205 : vector<64x256xi1>
    %or3A_207 = arith.ori %or3A_189, %and3A_206 : vector<64x256xi1>
    %jit3A_208 = arith.constant 0x7F800000 : f32
    %broadcast_in_dim3A_209 = vector.broadcast %jit3A_208 : f32 to vector<64x256xf32>
    %select_n3A_210 = arith.select %and3A_206, %broadcast_in_dim3A_209, %select_n3A_192 : vector<64x256xi1>, vector<64x256xf32>
    %reduce_min3A_211 = arith.constant dense<0x7F800000> : vector<64xf32>
    %reduce_min3A_212 = vector.multi_reduction <minimumf>, %select_n3A_210, %reduce_min3A_211 [1] : vector<64x256xf32> to vector<64xf32>
    %broadcast_in_dim3A_213 = vector.shape_cast %reduce_min3A_212 : vector<64xf32> to vector<64x1xf32>
    %le3A_214 = vector.broadcast %broadcast_in_dim3A_213 : vector<64x1xf32> to vector<64x256xf32>
    %le3A_215 = arith.cmpf ole, %select_n3A_210, %le3A_214 : vector<64x256xf32>
    %jit3A_216 = arith.constant 2147483647 : i32
    %broadcast_in_dim3A_217 = vector.broadcast %jit3A_216 : i32 to vector<64x256xi32>
    %select_n3A_218 = arith.select %le3A_215, %get3A_18, %broadcast_in_dim3A_217 : vector<64x256xi1>, vector<64x256xi32>
    %reduce_min3A_219 = arith.constant dense<2147483647> : vector<64xi32>
    %reduce_min3A_220 = vector.multi_reduction <minsi>, %select_n3A_218, %reduce_min3A_219 [1] : vector<64x256xi32> to vector<64xi32>
    %broadcast_in_dim3A_221 = vector.shape_cast %reduce_min3A_220 : vector<64xi32> to vector<64x1xi32>
    %eq3A_222 = vector.broadcast %broadcast_in_dim3A_221 : vector<64x1xi32> to vector<64x256xi32>
    %eq3A_223 = arith.cmpi eq, %get3A_18, %eq3A_222 : vector<64x256xi32>
    %and3A_224 = arith.andi %le3A_215, %eq3A_223 : vector<64x256xi1>
    %or3A_225 = arith.ori %or3A_207, %and3A_224 : vector<64x256xi1>
    %jit3A_226 = arith.constant 0x7F800000 : f32
    %broadcast_in_dim3A_227 = vector.broadcast %jit3A_226 : f32 to vector<64x256xf32>
    %select_n3A_228 = arith.select %and3A_224, %broadcast_in_dim3A_227, %select_n3A_210 : vector<64x256xi1>, vector<64x256xf32>
    %reduce_min3A_229 = arith.constant dense<0x7F800000> : vector<64xf32>
    %reduce_min3A_230 = vector.multi_reduction <minimumf>, %select_n3A_228, %reduce_min3A_229 [1] : vector<64x256xf32> to vector<64xf32>
    %broadcast_in_dim3A_231 = vector.shape_cast %reduce_min3A_230 : vector<64xf32> to vector<64x1xf32>
    %le3A_232 = vector.broadcast %broadcast_in_dim3A_231 : vector<64x1xf32> to vector<64x256xf32>
    %le3A_233 = arith.cmpf ole, %select_n3A_228, %le3A_232 : vector<64x256xf32>
    %jit3A_234 = arith.constant 2147483647 : i32
    %broadcast_in_dim3A_235 = vector.broadcast %jit3A_234 : i32 to vector<64x256xi32>
    %select_n3A_236 = arith.select %le3A_233, %get3A_18, %broadcast_in_dim3A_235 : vector<64x256xi1>, vector<64x256xi32>
    %reduce_min3A_237 = arith.constant dense<2147483647> : vector<64xi32>
    %reduce_min3A_238 = vector.multi_reduction <minsi>, %select_n3A_236, %reduce_min3A_237 [1] : vector<64x256xi32> to vector<64xi32>
    %broadcast_in_dim3A_239 = vector.shape_cast %reduce_min3A_238 : vector<64xi32> to vector<64x1xi32>
    %eq3A_240 = vector.broadcast %broadcast_in_dim3A_239 : vector<64x1xi32> to vector<64x256xi32>
    %eq3A_241 = arith.cmpi eq, %get3A_18, %eq3A_240 : vector<64x256xi32>
    %and3A_242 = arith.andi %le3A_233, %eq3A_241 : vector<64x256xi1>
    %or3A_243 = arith.ori %or3A_225, %and3A_242 : vector<64x256xi1>
    %jit3A_244 = arith.constant 0x7F800000 : f32
    %broadcast_in_dim3A_245 = vector.broadcast %jit3A_244 : f32 to vector<64x256xf32>
    %select_n3A_246 = arith.select %and3A_242, %broadcast_in_dim3A_245, %select_n3A_228 : vector<64x256xi1>, vector<64x256xf32>
    %reduce_min3A_247 = arith.constant dense<0x7F800000> : vector<64xf32>
    %reduce_min3A_248 = vector.multi_reduction <minimumf>, %select_n3A_246, %reduce_min3A_247 [1] : vector<64x256xf32> to vector<64xf32>
    %broadcast_in_dim3A_249 = vector.shape_cast %reduce_min3A_248 : vector<64xf32> to vector<64x1xf32>
    %le3A_250 = vector.broadcast %broadcast_in_dim3A_249 : vector<64x1xf32> to vector<64x256xf32>
    %le3A_251 = arith.cmpf ole, %select_n3A_246, %le3A_250 : vector<64x256xf32>
    %jit3A_252 = arith.constant 2147483647 : i32
    %broadcast_in_dim3A_253 = vector.broadcast %jit3A_252 : i32 to vector<64x256xi32>
    %select_n3A_254 = arith.select %le3A_251, %get3A_18, %broadcast_in_dim3A_253 : vector<64x256xi1>, vector<64x256xi32>
    %reduce_min3A_255 = arith.constant dense<2147483647> : vector<64xi32>
    %reduce_min3A_256 = vector.multi_reduction <minsi>, %select_n3A_254, %reduce_min3A_255 [1] : vector<64x256xi32> to vector<64xi32>
    %broadcast_in_dim3A_257 = vector.shape_cast %reduce_min3A_256 : vector<64xi32> to vector<64x1xi32>
    %eq3A_258 = vector.broadcast %broadcast_in_dim3A_257 : vector<64x1xi32> to vector<64x256xi32>
    %eq3A_259 = arith.cmpi eq, %get3A_18, %eq3A_258 : vector<64x256xi32>
    %and3A_260 = arith.andi %le3A_251, %eq3A_259 : vector<64x256xi1>
    %or3A_261 = arith.ori %or3A_243, %and3A_260 : vector<64x256xi1>
    %jit3A_262 = arith.constant 0x7F800000 : f32
    %broadcast_in_dim3A_263 = vector.broadcast %jit3A_262 : f32 to vector<64x256xf32>
    %select_n3A_264 = arith.select %and3A_260, %broadcast_in_dim3A_263, %select_n3A_246 : vector<64x256xi1>, vector<64x256xf32>
    %reduce_min3A_265 = arith.constant dense<0x7F800000> : vector<64xf32>
    %reduce_min3A_266 = vector.multi_reduction <minimumf>, %select_n3A_264, %reduce_min3A_265 [1] : vector<64x256xf32> to vector<64xf32>
    %broadcast_in_dim3A_267 = vector.shape_cast %reduce_min3A_266 : vector<64xf32> to vector<64x1xf32>
    %le3A_268 = vector.broadcast %broadcast_in_dim3A_267 : vector<64x1xf32> to vector<64x256xf32>
    %le3A_269 = arith.cmpf ole, %select_n3A_264, %le3A_268 : vector<64x256xf32>
    %jit3A_270 = arith.constant 2147483647 : i32
    %broadcast_in_dim3A_271 = vector.broadcast %jit3A_270 : i32 to vector<64x256xi32>
    %select_n3A_272 = arith.select %le3A_269, %get3A_18, %broadcast_in_dim3A_271 : vector<64x256xi1>, vector<64x256xi32>
    %reduce_min3A_273 = arith.constant dense<2147483647> : vector<64xi32>
    %reduce_min3A_274 = vector.multi_reduction <minsi>, %select_n3A_272, %reduce_min3A_273 [1] : vector<64x256xi32> to vector<64xi32>
    %broadcast_in_dim3A_275 = vector.shape_cast %reduce_min3A_274 : vector<64xi32> to vector<64x1xi32>
    %eq3A_276 = vector.broadcast %broadcast_in_dim3A_275 : vector<64x1xi32> to vector<64x256xi32>
    %eq3A_277 = arith.cmpi eq, %get3A_18, %eq3A_276 : vector<64x256xi32>
    %and3A_278 = arith.andi %le3A_269, %eq3A_277 : vector<64x256xi1>
    %or3A_279 = arith.ori %or3A_261, %and3A_278 : vector<64x256xi1>
    %jit3A_280 = arith.constant 0x7F800000 : f32
    %broadcast_in_dim3A_281 = vector.broadcast %jit3A_280 : f32 to vector<64x256xf32>
    %select_n3A_282 = arith.select %and3A_278, %broadcast_in_dim3A_281, %select_n3A_264 : vector<64x256xi1>, vector<64x256xf32>
    %reduce_min3A_283 = arith.constant dense<0x7F800000> : vector<64xf32>
    %reduce_min3A_284 = vector.multi_reduction <minimumf>, %select_n3A_282, %reduce_min3A_283 [1] : vector<64x256xf32> to vector<64xf32>
    %broadcast_in_dim3A_285 = vector.shape_cast %reduce_min3A_284 : vector<64xf32> to vector<64x1xf32>
    %le3A_286 = vector.broadcast %broadcast_in_dim3A_285 : vector<64x1xf32> to vector<64x256xf32>
    %le3A_287 = arith.cmpf ole, %select_n3A_282, %le3A_286 : vector<64x256xf32>
    %jit3A_288 = arith.constant 2147483647 : i32
    %broadcast_in_dim3A_289 = vector.broadcast %jit3A_288 : i32 to vector<64x256xi32>
    %select_n3A_290 = arith.select %le3A_287, %get3A_18, %broadcast_in_dim3A_289 : vector<64x256xi1>, vector<64x256xi32>
    %reduce_min3A_291 = arith.constant dense<2147483647> : vector<64xi32>
    %reduce_min3A_292 = vector.multi_reduction <minsi>, %select_n3A_290, %reduce_min3A_291 [1] : vector<64x256xi32> to vector<64xi32>
    %broadcast_in_dim3A_293 = vector.shape_cast %reduce_min3A_292 : vector<64xi32> to vector<64x1xi32>
    %eq3A_294 = vector.broadcast %broadcast_in_dim3A_293 : vector<64x1xi32> to vector<64x256xi32>
    %eq3A_295 = arith.cmpi eq, %get3A_18, %eq3A_294 : vector<64x256xi32>
    %and3A_296 = arith.andi %le3A_287, %eq3A_295 : vector<64x256xi1>
    %or3A_297 = arith.ori %or3A_279, %and3A_296 : vector<64x256xi1>
    %jit3A_298 = arith.constant 0x7F800000 : f32
    %broadcast_in_dim3A_299 = vector.broadcast %jit3A_298 : f32 to vector<64x256xf32>
    %select_n3A_300 = arith.select %and3A_296, %broadcast_in_dim3A_299, %select_n3A_282 : vector<64x256xi1>, vector<64x256xf32>
    %reduce_min3A_301 = arith.constant dense<0x7F800000> : vector<64xf32>
    %reduce_min3A_302 = vector.multi_reduction <minimumf>, %select_n3A_300, %reduce_min3A_301 [1] : vector<64x256xf32> to vector<64xf32>
    %broadcast_in_dim3A_303 = vector.shape_cast %reduce_min3A_302 : vector<64xf32> to vector<64x1xf32>
    %le3A_304 = vector.broadcast %broadcast_in_dim3A_303 : vector<64x1xf32> to vector<64x256xf32>
    %le3A_305 = arith.cmpf ole, %select_n3A_300, %le3A_304 : vector<64x256xf32>
    %jit3A_306 = arith.constant 2147483647 : i32
    %broadcast_in_dim3A_307 = vector.broadcast %jit3A_306 : i32 to vector<64x256xi32>
    %select_n3A_308 = arith.select %le3A_305, %get3A_18, %broadcast_in_dim3A_307 : vector<64x256xi1>, vector<64x256xi32>
    %reduce_min3A_309 = arith.constant dense<2147483647> : vector<64xi32>
    %reduce_min3A_310 = vector.multi_reduction <minsi>, %select_n3A_308, %reduce_min3A_309 [1] : vector<64x256xi32> to vector<64xi32>
    %broadcast_in_dim3A_311 = vector.shape_cast %reduce_min3A_310 : vector<64xi32> to vector<64x1xi32>
    %eq3A_312 = vector.broadcast %broadcast_in_dim3A_311 : vector<64x1xi32> to vector<64x256xi32>
    %eq3A_313 = arith.cmpi eq, %get3A_18, %eq3A_312 : vector<64x256xi32>
    %and3A_314 = arith.andi %le3A_305, %eq3A_313 : vector<64x256xi1>
    %or3A_315 = arith.ori %or3A_297, %and3A_314 : vector<64x256xi1>
    %jit3A_316 = arith.constant 0x7F800000 : f32
    %broadcast_in_dim3A_317 = vector.broadcast %jit3A_316 : f32 to vector<64x256xf32>
    %select_n3A_318 = arith.select %and3A_314, %broadcast_in_dim3A_317, %select_n3A_300 : vector<64x256xi1>, vector<64x256xf32>
    %reduce_min3A_319 = arith.constant dense<0x7F800000> : vector<64xf32>
    %reduce_min3A_320 = vector.multi_reduction <minimumf>, %select_n3A_318, %reduce_min3A_319 [1] : vector<64x256xf32> to vector<64xf32>
    %broadcast_in_dim3A_321 = vector.shape_cast %reduce_min3A_320 : vector<64xf32> to vector<64x1xf32>
    %le3A_322 = vector.broadcast %broadcast_in_dim3A_321 : vector<64x1xf32> to vector<64x256xf32>
    %le3A_323 = arith.cmpf ole, %select_n3A_318, %le3A_322 : vector<64x256xf32>
    %jit3A_324 = arith.constant 2147483647 : i32
    %broadcast_in_dim3A_325 = vector.broadcast %jit3A_324 : i32 to vector<64x256xi32>
    %select_n3A_326 = arith.select %le3A_323, %get3A_18, %broadcast_in_dim3A_325 : vector<64x256xi1>, vector<64x256xi32>
    %reduce_min3A_327 = arith.constant dense<2147483647> : vector<64xi32>
    %reduce_min3A_328 = vector.multi_reduction <minsi>, %select_n3A_326, %reduce_min3A_327 [1] : vector<64x256xi32> to vector<64xi32>
    %broadcast_in_dim3A_329 = vector.shape_cast %reduce_min3A_328 : vector<64xi32> to vector<64x1xi32>
    %eq3A_330 = vector.broadcast %broadcast_in_dim3A_329 : vector<64x1xi32> to vector<64x256xi32>
    %eq3A_331 = arith.cmpi eq, %get3A_18, %eq3A_330 : vector<64x256xi32>
    %and3A_332 = arith.andi %le3A_323, %eq3A_331 : vector<64x256xi1>
    %or3A_333 = arith.ori %or3A_315, %and3A_332 : vector<64x256xi1>
    %jit3A_334 = arith.constant 0x7F800000 : f32
    %broadcast_in_dim3A_335 = vector.broadcast %jit3A_334 : f32 to vector<64x256xf32>
    %select_n3A_336 = arith.select %and3A_332, %broadcast_in_dim3A_335, %select_n3A_318 : vector<64x256xi1>, vector<64x256xf32>
    %reduce_min3A_337 = arith.constant dense<0x7F800000> : vector<64xf32>
    %reduce_min3A_338 = vector.multi_reduction <minimumf>, %select_n3A_336, %reduce_min3A_337 [1] : vector<64x256xf32> to vector<64xf32>
    %broadcast_in_dim3A_339 = vector.shape_cast %reduce_min3A_338 : vector<64xf32> to vector<64x1xf32>
    %le3A_340 = vector.broadcast %broadcast_in_dim3A_339 : vector<64x1xf32> to vector<64x256xf32>
    %le3A_341 = arith.cmpf ole, %select_n3A_336, %le3A_340 : vector<64x256xf32>
    %jit3A_342 = arith.constant 2147483647 : i32
    %broadcast_in_dim3A_343 = vector.broadcast %jit3A_342 : i32 to vector<64x256xi32>
    %select_n3A_344 = arith.select %le3A_341, %get3A_18, %broadcast_in_dim3A_343 : vector<64x256xi1>, vector<64x256xi32>
    %reduce_min3A_345 = arith.constant dense<2147483647> : vector<64xi32>
    %reduce_min3A_346 = vector.multi_reduction <minsi>, %select_n3A_344, %reduce_min3A_345 [1] : vector<64x256xi32> to vector<64xi32>
    %broadcast_in_dim3A_347 = vector.shape_cast %reduce_min3A_346 : vector<64xi32> to vector<64x1xi32>
    %eq3A_348 = vector.broadcast %broadcast_in_dim3A_347 : vector<64x1xi32> to vector<64x256xi32>
    %eq3A_349 = arith.cmpi eq, %get3A_18, %eq3A_348 : vector<64x256xi32>
    %and3A_350 = arith.andi %le3A_341, %eq3A_349 : vector<64x256xi1>
    %or3A_351 = arith.ori %or3A_333, %and3A_350 : vector<64x256xi1>
    %reduce_min3A_352 = arith.constant dense<0x7F800000> : vector<64xf32>
    %reduce_min3A_353 = vector.multi_reduction <minimumf>, %select_n3A, %reduce_min3A_352 [1] : vector<64x256xf32> to vector<64xf32>
    %broadcast_in_dim3A_354 = vector.shape_cast %reduce_min3A_353 : vector<64xf32> to vector<64x1xf32>
    %sub3A_355 = vector.broadcast %broadcast_in_dim3A_354 : vector<64x1xf32> to vector<64x256xf32>
    %sub3A_356 = arith.subf %sub3A_355, %select_n3A : vector<64x256xf32>
    %div3A_357 = arith.constant 1.000000e-01 : f32
    %div3A_358 = vector.broadcast %div3A_357 : f32 to vector<64x256xf32>
    %div3A_359 = arith.divf %sub3A_356, %div3A_358 : vector<64x256xf32>
    %exp3A = math.exp %div3A_359 : vector<64x256xf32>
    %jit3A_360 = arith.constant 0.000000e+00 : f32
    %broadcast_in_dim3A_361 = vector.broadcast %jit3A_360 : f32 to vector<64x256xf32>
    %select_n3A_362 = arith.select %or3A_351, %exp3A, %broadcast_in_dim3A_361 : vector<64x256xi1>, vector<64x256xf32>
    %reduce_sum3A_363 = arith.constant dense<0.000000e+00> : vector<64xf32>
    %reduce_sum3A_364 = vector.multi_reduction <add>, %select_n3A_362, %reduce_sum3A_363 [1] : vector<64x256xf32> to vector<64xf32>
    %broadcast_in_dim3A_365 = vector.shape_cast %reduce_sum3A_364 : vector<64xf32> to vector<64x1xf32>
    %div3A_366 = vector.broadcast %broadcast_in_dim3A_365 : vector<64x1xf32> to vector<64x256xf32>
    %div3A_367 = arith.divf %select_n3A_362, %div3A_366 : vector<64x256xf32>
    %broadcast_in_dim3A_368 = vector.shape_cast %div3A_367 : vector<64x256xf32> to vector<64x256x1xf32>
    %mul3A_369 = vector.broadcast %broadcast_in_dim3A_368 : vector<64x256x1xf32> to vector<64x256x64xf32>
    %mul3A_370 = arith.mulf %get3A_5, %mul3A_369 : vector<64x256x64xf32>
    %reduce_sum3A_371 = arith.constant dense<0.000000e+00> : vector<64x64xf32>
    %reduce_sum3A_372 = vector.multi_reduction <add>, %mul3A_370, %reduce_sum3A_371 [1] : vector<64x256x64xf32> to vector<64x64xf32>
    %get3A_373 = arith.constant 0 : index
    %get3A_374 = arith.constant 0 : index
    %get3A_375 = vector.load %arg4[%get3A_373, %get3A_374] : memref<64x1024xf32, #tpu.memory_space<vmem>>, vector<64x1024xf32>
    %dot_general3A = arith.constant dense<0.000000e+00> : vector<64x1024xf32>
    %dot_general3A_376 = tpu.matmul %reduce_sum3A_372, %get3A_375, %dot_general3A {dimension_numbers = #tpu.dot_dimension_numbers<[1], [0], [0], [1], [0, 0, 1, 1], [], []>, transpose_lhs_hint = false} : vector<64x64xf32>, vector<64x1024xf32>, vector<64x1024xf32> -> vector<64x1024xf32>
    %get3A_377 = arith.constant 0 : index
    %get3A_378 = arith.constant 0 : index
    %get3A_379 = vector.load %arg5[%get3A_377, %get3A_378] : memref<1x1024xf32, #tpu.memory_space<vmem>>, vector<1x1024xf32>
    %add3A_380 = vector.broadcast %get3A_379 : vector<1x1024xf32> to vector<64x1024xf32>
    %add3A_381 = arith.addf %dot_general3A_376, %add3A_380 : vector<64x1024xf32>
    %swap3A = arith.constant 0 : index
    %swap3A_382 = arith.constant 0 : index
    %swap3A_383 = vector.load %arg6[%swap3A, %swap3A_382] : memref<64x1024xf32, #tpu.memory_space<vmem>>, vector<64x1024xf32>
    tpu.vector_store %arg6[%swap3A, %swap3A_382], %add3A_381 {strides = array<i32>} : memref<64x1024xf32, #tpu.memory_space<vmem>>, vector<64x1024xf32>,
    return
  }
  func.func @transform_0(%arg0: i32) -> (i32, i32) {
    %c0_i32 = arith.constant 0 : i32
    %c0_i32_0 = arith.constant 0 : i32
    return %arg0, %c0_i32 : i32, i32
  }
  func.func @transform_1(%arg0: i32) -> (i32, i32, i32) {
    %c0_i32 = arith.constant 0 : i32
    %c0_i32_0 = arith.constant 0 : i32
    %c0_i32_1 = arith.constant 0 : i32
    return %arg0, %c0_i32, %c0_i32_0 : i32, i32, i32
  }
  func.func @transform_2(%arg0: i32) -> (i32, i32) {
    %c0_i32 = arith.constant 0 : i32
    %c0_i32_0 = arith.constant 0 : i32
    return %arg0, %c0_i32 : i32, i32
  }
  func.func @transform_3(%arg0: i32) -> (i32, i32) {
    %c0_i32 = arith.constant 0 : i32
    %c0_i32_0 = arith.constant 0 : i32
    %c0_i32_1 = arith.constant 0 : i32
    return %c0_i32, %c0_i32_0 : i32, i32
  }
  func.func @transform_4(%arg0: i32) -> (i32, i32) {
    %c0_i32 = arith.constant 0 : i32
    %c0_i32_0 = arith.constant 0 : i32
    %c0_i32_1 = arith.constant 0 : i32
    return %c0_i32, %c0_i32_0 : i32, i32
  }
  func.func @transform_5(%arg0: i32) -> (i32, i32) {
    %c0_i32 = arith.constant 0 : i32
    %c0_i32_0 = arith.constant 0 : i32
    return %arg0, %c0_i32 : i32, i32
  }
}

</mosaic_0001>

<sc_bundles>
// kernel: kernel.7.cloned.1.call-start
scs
__scs_entry_jumppad:
0x0: {  	(pc) =	sbr.rel $0x88, $3  }
0x1: {  	(tag) =	ssettag $0x0;
	lr =	simm.s32 $0x1  }
0x2: {  	[smem:$0x3F96] =	sst lr;
	_ =	strace $0xD0000000  }
0x3: {  	_ = 	snop  }
0x4: {  	_ = 	snop  }
0x5: {  	_ = 	snop  }
0x6: {  	_ = 	snop  }
0x7: {  	_ = 	snop  }
__scs_overlays_trampoline_lowered:
0x8: {  	[smem:$0x3FA5] =	sst s0  }
0x9: {  	[smem:$0x3FA6] =	sst s1  }
0xa: {  	[smem:$0x3FA7] =	sst s2  }
0xb: {  	[smem:$0x3FA8] =	sst s3  }
0xc: {  	[smem:$0x3FA9] =	sst s4  }
0xd: {  	[smem:$0x3FAA] =	sst s5  }
0xe: {  	[smem:$0x3FAB] =	sst s6  }
0xf: {  	[smem:$0x3FAC] =	sst s7  }
0x10: {  	[smem:$0x3FAD] =	sst s8  }
0x11: {  	[smem:$0x3FAE] =	sst s9;
	s0 =	simm.s32 @!p0 $0x0  }
0x12: {  	s1 =	sld [smem:$0x3F94];
	s0 =	simm.s32 @p0 $0x1  }
0x13: {  	[smem:$0x3FAF] =	sst s0;
	s0 =	simm.s32 @!p1 $0x0  }
0x14: {  	s2 =	sld [smem:$0x3F93];
	s0 =	simm.s32 @p1 $0x1  }
0x15: {  	[smem:$0x3FB0] =	sst s0;
	s0 =	simm.s32 @!p2 $0x0  }
0x16: {  	s3 =	sld [smem:$0x3FDB];
	s0 =	simm.s32 @p2 $0x1  }
0x17: {  	s4 =	simm.s32 $0x1BF5;
	[smem:$0x3FB2] =	sst s0  }
0x18: {  	s0 =	sld [smem:$0x3F95];
	_ =	swait.ge [sflag:s4], $0x0  }
0x19: {  	s7 =	sld [smem:$0x3F96]  }
0x1a: {  	s8 =	sadd.s32 $0xFFFFE003, lr  }
0x1b: {  	s9 =	sadd.s32 $0xFFFFFEF7, lr;
	s5 =	simm.s32 $0xFFFFFFFF;
	p2 =	slt.u32 s8, $0xFFFFF086  }
0x1c: {  	p1 =	slt.u32 s9, $0xF7A;
	s5 =	simm.s32 @!p2 $0x0  }
0x1d: {  	s5 =	simm.s32 @p1 $0x1;
	p0 =	seq.s32 s7, s2  }
0x1e: {  	s7 =	smul.u32 @!p0 $0xF7A, s2;
	p2 =	seq.s32 @!p0 s5, $0x0  }
0x1f: {  	s9 =	smul.u32 $0xF7A, s1;
	s8 =	simm.s32 @!p0 $0x1BF5;
	p2 =	por !p2, p0  }
0x20: {  	[sflag:s8] =	ssyncset.s32 @!p0 $0xFFFFF086;
	s6 =	sadd.s32 @!p0 s3, s7;
	s7 =	simm.s32 @!p0 $0x108  }
0x21: {  	s3 =	sadd.s32 s3, s9;
	s6 =	sadd.s32 @!p0 $0x88, s6;
	s7 =	simm.s32 @p2 $0x1082  }
0x22: {  	[simem:s7], [sflag:s8] =	dma.local @!p0 [hbm:s6], $0xF7A  }
0x23: {  	s9 =	sor.u32 $0xD0000000, s2;
	s6 =	simm.s32 $0x108;
	_ =	swait.ge @!p0 [sflag:s8], $0x0  }
0x24: {  	s3 =	sadd.s32 $0x88, s3;
	s6 =	simm.s32 @!p1 $0x1082;
	[sflag:s4] =	ssyncset.s32 $0xFFFFF086  }
0x25: {  	[simem:s6], [sflag:s4] =	dma.local [hbm:s3], $0xF7A  }
0x26: {  	[smem:$0x3F96] =	sst s1;
	(tag) =	ssettag s2;
	_ =	strace s9  }
0x27: {  	s1 =	sld [smem:$0x3FA6]  }
0x28: {  	s2 =	sld [smem:$0x3FA7]  }
0x29: {  	s4 =	sld [smem:$0x3FA9]  }
0x2a: {  	p0 =	seq.s32 s5, $0x0;
	s5 =	sld [smem:$0x3FAA]  }
0x2b: {  	s6 =	sld [smem:$0x3FAB]  }
0x2c: {  	s7 =	sld [smem:$0x3FAC]  }
0x2d: {  	s3 =	simm.s32 $0x108;
	s8 =	sld [smem:$0x3FAD]  }
0x2e: {  	s3 =	simm.s32 @!p0 $0x1082;
	s9 =	sld [smem:$0x3FAE]  }
0x2f: {  	lr =	sadd.s32 s0, s3;
	s0 =	sld [smem:$0x3FA5]  }
0x30: {  	s3 =	sld [smem:$0x3FA8]  }
0x31: {  	[smem:$0x3FB1] =	sst s10  }
0x32: {  	s10 =	sld [smem:$0x3FAF];
	_ =	sdelay $0x3  }
0x33: {  	p0 =	seq.s32 s10, $0x1;
	s10 =	sld [smem:$0x3FB1];
	_ =	sdelay $0x3  }
0x34: {  	[smem:$0x3FB1] =	sst s10  }
0x35: {  	s10 =	sld [smem:$0x3FB0];
	_ =	sdelay $0x3  }
0x36: {  	p1 =	seq.s32 s10, $0x1;
	s10 =	sld [smem:$0x3FB1];
	_ =	sdelay $0x3  }
0x37: {  	[smem:$0x3FB1] =	sst s10  }
0x38: {  	s10 =	sld [smem:$0x3FB2]  }
0x39: {  	_ = 	snop;
	(pc) =	sbr.ind lr, $3  }
0x3a: {  	_ = 	snop  }
0x3b: {  	_ = 	snop  }
0x3c: {  	p2 =	seq.s32 s10, $0x1;
	s10 =	sld [smem:$0x3FB1]  }
0x3d: {  	_ =	shalt  }
0x3e: {  	_ =	shalt  }
0x3f: {  	_ =	shalt  }
0x40: {  	_ =	shalt  }
0x41: {  	_ =	shalt  }
0x42: {  	_ =	shalt  }
0x43: {  	_ =	shalt  }
0x44: {  	_ =	shalt  }
0x45: {  	_ =	shalt  }
0x46: {  	_ =	shalt  }
0x47: {  	_ =	shalt  }
0x48: {  	_ =	shalt  }
0x49: {  	_ =	shalt  }
0x4a: {  	_ =	shalt  }
0x4b: {  	_ =	shalt  }
0x4c: {  	_ =	shalt  }
0x4d: {  	_ =	shalt  }
0x4e: {  	_ =	shalt  }
0x4f: {  	_ =	shalt  }
0x50: {  	_ =	shalt  }
0x51: {  	_ =	shalt  }
0x52: {  	_ =	shalt  }
0x53: {  	_ =	shalt  }
0x54: {  	_ =	shalt  }
0x55: {  	_ =	shalt  }
0x56: {  	_ =	shalt  }
0x57: {  	_ =	shalt  }
0x58: {  	_ =	shalt  }
0x59: {  	_ =	shalt  }
0x5a: {  	_ =	shalt  }
0x5b: {  	_ =	shalt  }
0x5c: {  	_ =	shalt  }
0x5d: {  	_ =	shalt  }
0x5e: {  	_ =	shalt  }
0x5f: {  	_ =	shalt  }
0x60: {  	_ =	shalt  }
0x61: {  	_ =	shalt  }
0x62: {  	_ =	shalt  }
0x63: {  	_ =	shalt  }
0x64: {  	_ =	shalt  }
0x65: {  	_ =	shalt  }
0x66: {  	_ =	shalt  }
0x67: {  	_ =	shalt  }
0x68: {  	_ =	shalt  }
0x69: {  	_ =	shalt  }
0x6a: {  	_ =	shalt  }
0x6b: {  	_ =	shalt  }
0x6c: {  	_ =	shalt  }
0x6d: {  	_ =	shalt  }
0x6e: {  	_ =	shalt  }
0x6f: {  	_ =	shalt  }
0x70: {  	_ =	shalt  }
0x71: {  	_ =	shalt  }
0x72: {  	_ =	shalt  }
0x73: {  	_ =	shalt  }
0x74: {  	_ =	shalt  }
0x75: {  	_ =	shalt  }
0x76: {  	_ =	shalt  }
0x77: {  	_ =	shalt  }
0x78: {  	_ =	shalt  }
0x79: {  	_ =	shalt  }
0x7a: {  	_ =	shalt  }
0x7b: {  	_ =	shalt  }
0x7c: {  	_ =	shalt  }
0x7d: {  	_ =	shalt  }
0x7e: {  	_ =	shalt  }
0x7f: {  	_ =	shalt  }
0x80: {  	_ =	shalt  }
0x81: {  	_ =	shalt  }
0x82: {  	_ =	shalt  }
0x83: {  	_ =	shalt  }
0x84: {  	_ =	shalt  }
0x85: {  	_ =	shalt  }
0x86: {  	_ =	shalt  }
0x87: {  	_ =	shalt  }
.Lfunc_end0:
.L_simem_size_0:
called_computation_lowered:
.L_overlay_start_0:
0x88: {  	s2 =	sld [smem:$0x3FD9]  }
0x89: {  	s3 =	sld [smem:$0x3FFE];
	_ =	sdelay $0x1  }
0x8a: {  	s1 =	srdreg.scid  }
0x8b: {  	s0 =	sand.u32 $0x1, s1  }
0x8c: {  	s17 =	sshll.u32 s0, $0xA;
	s2 =	sadd.s32 s3, s2  }
0x8d: {  	s2 =	sadd.s32 s2, s17  }
0x8e: {  	[smem:$0x3FBD] =	sst s2  }
0x8f: {  	_ = 	snop  }
0x90: {  	s2 =	sld [smem:$0x3FD0];
	(tm) =	ssettm $0x1  }
0x91: {  	s18 =	sld [smem:$0x3FFB];
	_ =	sdelay $0x3  }
0x92: {  	_ =	strace s18  }
0x93: {  	s3 =	sld [smem:$0x3FFC];
	_ =	sdelay $0x3  }
0x94: {  	_ =	strace s3  }
0x95: {  	s3 =	sld [smem:$0x3FFD];
	_ =	sdelay $0x3  }
0x96: {  	_ =	strace s3  }
0x97: {  	_ =	strace $0x8FFFFFFF  }
0x98: {  	s19 =	sld [smem:$0x3FDB];
	_ =	sdelay $0x1  }
0x99: {  	s4 =	simm.s32 $_scs_section_size  }
0x9a: {  	s5 =	simm.s32 $_size__tile_overlayer_lowered;
	s6 =	simm.s32 $_tile_overlayer_lowered  }
0x9b: {  	s22 =	simm.s32 $0x1BFF;
	s21 =	sshll.u32 s6, $0x1;
	s3 =	sadd.s32 s4, s19  }
0x9c: {  	s7 =	simm.s32 $0x0;
	s20 =	sshll.u32 s5, $0x1;
	s5 =	sadd.s32 s21, s3  }
0x9d: {  	[timem:s7], [sflag:s22] =	dma.local [hbm:s5], s20  }
0x9e: {  	_ =	swait.ge [sflag:s22], s20  }
0x9f: {  	s4 =	ssub.s32 $0x0, s20;
	[sflag:s22] =	ssyncset.done $0x0  }
0xa0: {  	[sflag:s22] =	ssyncadd.s32 s4;
	_ =	sdelay $0x1  }
0xa1: {  	s23 =	simm.s32 $0x1B8B  }
0xa2: {  	_ =	swait.ge [sflag:s23], $0x1  }
0xa3: {  	[sflag:s23] =	ssyncset.done $0x0  }
0xa4: {  	s25 =	simm.s32 $0x1B8E;
	s24 =	sld [smem:$0x3FFE];
	[sflag:s23] =	ssyncadd.s32 $0xFFFFFFFF  }
0xa5: {  	s26 =	simm.s32 $execute0_lowered;
	[smem:$0x3FD2] =	sst s25  }
0xa6: {  	s5 =	sshll.u32 s26, $0x1;
	_ =	strace $0x80000046;
	[dreg:$0x1] =	wrdreg $0xFFFFFFFF  }
0xa7: {  	s28 =	simm.s32 $_size_execute0_lowered;
	s3 =	sadd.s32 s3, s5;
	[dreg:$0x0] =	wrdreg $0x0  }
0xa8: {  	s5 =	sshll.u32 s28, $0x1;
	[dreg:$0x2] =	wrdreg s3  }
0xa9: {  	[dreg:$0x3] =	wrdreg s5  }
0xaa: {  	[dreg:$0x4] =	wrdreg $0xC0  }
0xab: {  	_ =	task [dreg:s7], $0x5FFFF  }
0xac: {  	[dreg:$0x1] =	wrdreg $0xFFFFFFFF  }
0xad: {  	[dreg:$0x0] =	wrdreg $0x60  }
0xae: {  	[dreg:$0x2] =	wrdreg s24  }
0xaf: {  	[dreg:$0x3] =	wrdreg s2  }
0xb0: {  	[dreg:$0x4] =	wrdreg $0x9  }
0xb1: {  	_ =	task.clear_ibuf [dreg:s7], $0x5FFFF;
	_ =	strace $0x90000046  }
0xb2: {  	s29 =	simm.s32 $0x9;
	_ =	strace $0x80000048  }
0xb3: {  	_ =	swait.ge [sflag:s29], $0x1  }
0xb4: {  	[sflag:s29] =	ssyncadd.s32 $0xFFFFFFFF  }
0xb5: {  	_ =	strace $0x90000048  }
0xb6: {  	_ =	sfence  }
0xb7: {  	s30 =	sld [smem:$0x0];
	_ =	sdelay $0x2  }
0xb8: {  	s31 =	sshll.u32 s1, $0xD;
	s1 =	sshrl.u32 s1, $0x2  }
0xb9: {  	s3 =	sand.u32 $0x4000, s31;
	s1 =	sadd.s32 s1, s30  }
0xba: {  	s0 =	sor.u32 s3, s0;
	s1 =	sshll.u32 s1, $0x11  }
0xbb: {  	s0 =	sor.u32 s1, s0  }
0xbc: {  	s0 =	sadd.s32 $0x8F2B, s0  }
0xbd: {  	[sflag:s0] =	ssyncadd.remote.s32 $0x1  }
0xbe: {  	_ =	sfence.sel $0xFFFF  }
0xbf: {  	[dreg:$0x0] =	wrdreg $0xFFFFFFFF;
	(pc) =	sbr.abs _section_cstart, $3  }
0xc0: {  	[dreg:$0x1] =	wrdreg $0xFFFFFFFF  }
0xc1: {  	_ =	task.clear_ibuf [dreg:s7], $0x2FFFF;
	_ =	strace $0x9FFFFFFF  }
0xc2: {  	(tm) =	ssettm $0x7FFFFFFF  }
0xc3: {  	_ =	shalt  }
tec
execute0_lowered:
.L_overlay_start_1:
0x0: {  	(tag) =	ssettag $0x1  }
0x1: {  	s4 =	rddreg [dreg:$0x0]  }
0x2: {  	s6 =	rddreg [dreg:$0x1]  }
0x3: {  	s0 =	rddreg [dreg:$0x2];
	s2 =	simm.s32 $0x0;
	s1 =	stileid.u32  }
0x4: {  	s3 =	srdreg.scid;
	[smem:$0x7FF] =	sst s2  }
0x5: {  	s5 =	sshll.u32 s1, $0x12;
	s7 =	sand.u32 $0x1, s3;
	s3 =	sadd.s32 $0x6E5600, s4  }
0x6: {  	s9 =	sshll.u32 s1, $0xE;
	_ =	strace $0x80000047;
	s5 =	sadd.s32 s5, s4  }
0x7: {  	s29 =	ssub.s32 $0x2, s7;
	s10 =	sshll.u32 s7, $0xD;
	s7 =	sshll.u32 s7, $0x11  }
0x8: {  	s8 =	sshrl.u32 s29, $0x1;
	s30 =	sor.u32 s10, s9;
	s5 =	sadd.s32 s7, s5  }
0x9: {  	s7 =	simm.s32 $0x2;
	s9 =	simm.s32 $0x1;
	s10 =	simm.s32 $0x0  }
0xa: {  	s4 =	ssub.s32 s29, s8;
	s31 =	sshrl.u32 s30, $0x3;
	s5 =	sadd.s32 $0x86D600, s5  }
0xb: {  	s8 =	simm.s32 $0x200;
	s4 =	smax.u32 s4, $0x1;
	s6 =	sadd.s32 s31, s6  }
.LBB2_1:
0xc: {  	s11 =	sadd.s32 $0x0, s6  }
0xd: {  	[tilespmem:s2], [sflag:$0x2] =	stream.linear.gather [hbm4b:s11+s2], $0x200, $0x38;
	[tilespmem:$0x10200] =	vst v63  }
0xe: {  	_ =	swait.ge [sflag:s7], $0x200  }
0xf: {  	[sflag:s7] =	ssyncset.done $0x0  }
0x10: {  	[sflag:s7] =	ssyncadd.s32 $0xFFFFFE00  }
0x11: {  	[tilespmem:s8], [sflag:$0x1] =	stream.indirect.gather [hbm4b:s3+s8], $0x80, s2, s8, $0xb8;
	[tilespmem:$0x10200] =	vst v63  }
0x12: {  	_ =	swait.ge [sflag:s9], $0x10000  }
0x13: {  	[sflag:s9] =	ssyncset.done $0x0  }
0x14: {  	[sflag:s9] =	ssyncadd.s32 $0xFFFF0000  }
0x15: {  	[hbm4b:s5+s2] =	stream.linear.scatter [tilespmem:s8], [sflag:$0x2], $0x10000, $0x38;
	[tilespmem:$0x10200] =	vst v63  }
0x16: {  	s12 =	simm.s32 $0x40;
	_ =	swait.ge [sflag:s7], $0x10000  }
0x17: {  	s13 =	simm.s32 $0x80;
	s11 =	sadd.s32 $0x2000, s5;
	[sflag:s7] =	ssyncset.done $0x0  }
.LBB2_2:
0x18: {  	s14 =	sadd.s32 s12, s6  }
0x19: {  	[sflag:s7] =	ssyncadd.s32 $0xFFFF0000;
	s12 =	smov.u32 s13;
	s15 =	sadd.s32 $0x40, s13  }
0x1a: {  	[tilespmem:s2], [sflag:$0x2] =	stream.linear.gather [hbm4b:s14+s2], $0x200, $0x38;
	[tilespmem:$0x10200] =	vst v63  }
0x1b: {  	p0 =	sne.s32 s13, $0x3C0;
	_ =	swait.ge [sflag:s7], $0x200  }
0x1c: {  	[sflag:s7] =	ssyncset.done $0x0  }
0x1d: {  	[sflag:s7] =	ssyncadd.s32 $0xFFFFFE00  }
0x1e: {  	[tilespmem:s8], [sflag:$0x1] =	stream.indirect.gather [hbm4b:s3+s8], $0x80, s2, s8, $0xb8;
	[tilespmem:$0x10200] =	vst v63  }
0x1f: {  	_ =	swait.ge [sflag:s9], $0x10000  }
.Ltmp0:
0x20: {  	[sflag:s9] =	ssyncset.done $0x0;
	(pc) =	sbr.rel @p0 .LBB2_2-.Ltmp0, $4  }
0x21: {  	[sflag:s9] =	ssyncadd.s32 $0xFFFF0000  }
0x22: {  	[hbm4b:s11+s2] =	stream.linear.scatter [tilespmem:s8], [sflag:$0x2], $0x10000, $0x38;
	[tilespmem:$0x10200] =	vst v63  }
0x23: {  	_ =	swait.ge [sflag:s7], $0x10000  }
0x24: {  	s13 =	smov.u32 s15;
	s11 =	sadd.s32 $0x2000, s11;
	[sflag:s7] =	ssyncset.done $0x0  }
0x25: {  	s12 =	sadd.s32 s12, s6;
	[sflag:s7] =	ssyncadd.s32 $0xFFFF0000  }
0x26: {  	[tilespmem:s2], [sflag:$0x2] =	stream.linear.gather [hbm4b:s12+s2], $0x200, $0x38;
	[tilespmem:$0x10200] =	vst v63  }
0x27: {  	_ =	swait.ge [sflag:s7], $0x200  }
0x28: {  	[sflag:s7] =	ssyncset.done $0x0  }
0x29: {  	[sflag:s7] =	ssyncadd.s32 $0xFFFFFE00  }
0x2a: {  	[tilespmem:s8], [sflag:$0x1] =	stream.indirect.gather [hbm4b:s3+s8], $0x80, s2, s8, $0xb8;
	[tilespmem:$0x10200] =	vst v63  }
0x2b: {  	s10 =	sadd.s32 $0x1, s10;
	_ =	swait.ge [sflag:s9], $0x10000  }
0x2c: {  	p0 =	sne.s32 s10, s4;
	[sflag:s9] =	ssyncset.done $0x0  }
.Ltmp1:
0x2d: {  	[sflag:s9] =	ssyncadd.s32 $0xFFFF0000;
	(pc) =	sbr.rel @p0 .LBB2_1-.Ltmp1, $4  }
0x2e: {  	[hbm4b:s11+s2] =	stream.linear.scatter [tilespmem:s8], [sflag:$0x2], $0x10000, $0x38;
	[tilespmem:$0x10200] =	vst v63  }
0x2f: {  	_ =	swait.ge [sflag:s7], $0x10000  }
0x30: {  	[sflag:s7] =	ssyncset.done $0x0  }
0x31: {  	[sflag:s7] =	ssyncadd.s32 $0xFFFF0000  }
0x32: {  	_ =	sfence.sel $0x180000  }
0x33: {  	[bflag:$0x0] =	sbarrier.arrive $0xFFFF  }
0x34: {  	p0 =	sne.s32 s1, $0x0;
	_ =	strace $0x90000047  }
0x35: {  	s0 =	sadd.s32 @!p0 $0x100000, s0;
	[bflag:$0x2] =	sbarrier.arrive $0xFFFF  }
0x36: {  	[sflag:s0] =	ssyncadd.tile.s32 @!p0 $0x1;
	_ =	shalt  }
.Lfunc_end2:
_tile_overlayer_lowered:
.L_overlay_start_2:
0x37: {  	(tag) =	ssettag $0x2  }
0x38: {  	s0 =	rddreg [dreg:$0x0];
	s2 =	stileid.u32  }
0x39: {  	s1 =	rddreg [dreg:$0x1];
	p0 =	sne.s32 s2, $0x0  }
0x3a: {  	s3 =	rddreg [dreg:$0x2];
	[bflag:$0x3] =	sbarrier.arrive $0xFFFF;
	s2 =	simm.s32 @!p0 $0x1C02  }
0x3b: {  	[timem:s3], [sflag:s2] =	dma.local @!p0 [hbm:s0], s1  }
0x3c: {  	s0 =	simm.s32 @!p0 $0x2  }
0x3d: {  	_ =	swait.ge @!p0 [sflag:s0], s1  }
0x3e: {  	s1 =	ssub.s32 @!p0 $0x0, s1;
	[sflag:s0] =	ssyncset.done @!p0 $0x0  }
0x3f: {  	[sflag:s0] =	ssyncadd.s32 @!p0 s1  }
0x40: {  	[bflag:$0x3] =	sbarrier.arrive $0xFFFF  }
0x41: {  	_ =	shalt  }

</sc_bundles>
